<compile_context>
chip_gen: v7x
topology: tpu7x:2x2x1
jax: 0.10.2.dev20260603
libtpu: 0.0.44.dev20260713+nightly
codegen_flags: <defaults>
</compile_context>

<pallas_src>
import functools

import jax
import jax.numpy as jnp
from jax import lax
from jax.experimental import pallas as pl
from jax.experimental.pallas import tpu as pltpu
from jax.experimental.pallas import tpu_sc as plsc

_B, _N, _P = 4096, 2048, 50
_MARGIN = 1.0
_NC, _NS, _L = 2, 16, 16
_NW = _NC * _NS
_ROWS_PER_W = _B // _NW
_R = 16
_CHUNKS = _ROWS_PER_W // _R
_NB = 3
_GROUPS = (0, 16, 32, 34)


def _loss_kernel(scores_hbm, idx_hbm, out_hbm,
                 sc0, sc1, sc2, ib0, ib1, ib2, outv,
                 sem0, sem1, sem2):
    wid = lax.axis_index("s") * _NC + lax.axis_index("c")
    row0 = wid * _ROWS_PER_W

    sbufs = (sc0, sc1, sc2)
    ibufs = (ib0, ib1, ib2)
    sems = (sem0, sem1, sem2)

    def start_chunk(c, slot):
        base = row0 + c * _R
        return [
            pltpu.async_copy(scores_hbm.at[pl.ds(base, _R)], sbufs[slot],
                             sems[slot]),
            pltpu.async_copy(idx_hbm.at[pl.ds(base, _R)], ibufs[slot],
                             sems[slot]),
        ]

    lane = lax.iota(jnp.int32, _L)
    tail_new = lane >= (3 * _L - _GROUPS[3])
    zero16 = jnp.zeros((_L,), jnp.float32)

    def make_row_body(sbuf, ibuf):
        def row_body(r, acc):
            rv = jnp.full((_L,), 0, jnp.int32) + r
            for g, start in enumerate(_GROUPS):
                pi = ibuf[r, pl.ds(start, _L)]
                ni = ibuf[r, pl.ds(_P + start, _L)]
                ps = plsc.load_gather(sbuf, [rv, pi])
                ns = plsc.load_gather(sbuf, [rv, ni])
                loss = jnp.maximum(_MARGIN + ns - ps, 0.0)
                if g == 3:
                    loss = jnp.where(tail_new, loss, zero16)
                acc = acc + loss
            return acc
        return row_body

    pending = [start_chunk(c, c) for c in range(_NB - 1)]
    pending.append([])
    acc = zero16
    for c in range(_CHUNKS):
        slot = c % _NB
        for h in pending[slot]:
            h.wait()
        if c + _NB - 1 < _CHUNKS:
            pending[(c + _NB - 1) % _NB] = start_chunk(
                c + _NB - 1, (c + _NB - 1) % _NB)
        acc = lax.fori_loop(
            0, _R, make_row_body(sbufs[slot], ibufs[slot]), acc)

    outv[...] = acc * (1.0 / (_B * _P))
    pltpu.sync_copy(outv, out_hbm.at[wid])


@jax.jit
def kernel(saliency_scores, pos_indices, neg_indices):
    mesh = plsc.VectorSubcoreMesh(core_axis_name="c", subcore_axis_name="s")
    run = functools.partial(
        pl.kernel,
        out_type=jax.ShapeDtypeStruct((_NW, _L), jnp.float32),
        mesh=mesh,
        compiler_params=pltpu.CompilerParams(needs_layout_passes=False),
        scratch_types=[
            pltpu.VMEM((_R, _N), jnp.float32),
            pltpu.VMEM((_R, _N), jnp.float32),
            pltpu.VMEM((_R, _N), jnp.float32),
            pltpu.VMEM((_R, 2 * _P), jnp.int32),
            pltpu.VMEM((_R, 2 * _P), jnp.int32),
            pltpu.VMEM((_R, 2 * _P), jnp.int32),
            pltpu.VMEM((_L,), jnp.float32),
            pltpu.SemaphoreType.DMA,
            pltpu.SemaphoreType.DMA,
            pltpu.SemaphoreType.DMA,
        ],
    )(_loss_kernel)
    idx = jnp.concatenate([pos_indices, neg_indices], axis=1)
    partials = run(saliency_scores, idx)
    return jnp.sum(partials)

# --- scband reference (transcript-rebuilt; emitter-appended) ---
"""Pipeline reference for scband-margin-ranking-loss-45475113730281 (READ-ONLY COPY).

The authoritative reference and input builder live on the scoring server;
editing this copy changes nothing except your own understanding.
"""

import jax, jax.numpy as jnp
import numpy as np

B, N, P = 4096, 2048, 50
MARGIN = 1.0


def setup_inputs(seed: int = 0) -> dict:
    key = jax.random.key(seed)
    k1, k2, k3 = jax.random.split(key, 3)
    saliency_scores = jax.random.normal(k1, (B, N), dtype=jnp.float32)
    pos_indices = jax.random.randint(k2, (B, P), 0, N)
    neg_indices = jax.random.randint(k3, (B, P), 0, N)
    return {
        "saliency_scores": saliency_scores,
        "pos_indices": pos_indices,
        "neg_indices": neg_indices,
    }


def reference(saliency_scores, pos_indices, neg_indices):
    batch_size = saliency_scores.shape[0]
    num_pairs = pos_indices.shape[1]
    batch_idx = jnp.arange(batch_size)[:, None]
    # gather per-(batch, pair) scores; equivalent to the torch per-column stack
    pos_scores = saliency_scores[batch_idx, pos_indices]
    neg_scores = saliency_scores[batch_idx, neg_indices]
    margin_loss = jnp.maximum(MARGIN + neg_scores - pos_scores, 0.0)
    return margin_loss.sum() / (batch_size * num_pairs)

if __name__ == "__main__":
    import jax
    _d = setup_inputs()
    print(jax.jit(kernel)(*tuple(_d.values())))

</pallas_src>

<mosaic_0001>
#map = affine_map<(d0, d1) -> (0, 0)>
module attributes {stable_mosaic.version = 14 : i64} {
  func.func @_loss_kernel(%arg0: i32, %arg1: i32, %arg2: memref<4096x2048xf32, #tpu.memory_space<hbm>>, %arg3: memref<4096x100xi32, #tpu.memory_space<hbm>>, %arg4: memref<32x16xf32, #tpu.memory_space<hbm>>, %arg5: memref<16x2048xf32, #tpu.memory_space<vmem>>, %arg6: memref<16x2048xf32, #tpu.memory_space<vmem>>, %arg7: memref<16x2048xf32, #tpu.memory_space<vmem>>, %arg8: memref<16x100xi32, #tpu.memory_space<vmem>>, %arg9: memref<16x100xi32, #tpu.memory_space<vmem>>, %arg10: memref<16x100xi32, #tpu.memory_space<vmem>>, %arg11: memref<16xf32, #tpu.memory_space<vmem>>, %arg12: memref<!tpu.dma_semaphore, #tpu.memory_space<semaphore_mem>>, %arg13: memref<!tpu.dma_semaphore, #tpu.memory_space<semaphore_mem>>, %arg14: memref<!tpu.dma_semaphore, #tpu.memory_space<semaphore_mem>>) attributes {dimension_semantics = [#tpu.dimension_semantics<core_parallel>, #tpu.dimension_semantics<subcore_parallel>], iteration_bounds = array<i64: 2, 16>, scalar_prefetch = 0 : i64, scratch_operands = 10 : i64, tpu.core_type = #tpu.core_type<sc_vector_subcore>, window_params = [{transform_indices = #map}, {transform_indices = #map}, {transform_indices = #map}]} {
    %mul3A = arith.constant 2 : i32
    %mul3A_0 = arith.muli %arg1, %mul3A : i32
    %add3A = arith.addi %mul3A_0, %arg0 : i32
    %mul3A_1 = arith.constant 128 : i32
    %mul3A_2 = arith.muli %add3A, %mul3A_1 : i32
    %iota3A = tpu.iota {dimensions = array<i32: 0>} : vector<16xi32>
    %ge3A = arith.constant 14 : i32
    %ge3A_3 = vector.broadcast %ge3A : i32 to vector<16xi32>
    %ge3A_4 = arith.cmpi sge, %iota3A, %ge3A_3 : vector<16xi32>
    %broadcast_in_dim3A = arith.constant 0.000000e+00 : f32
    %broadcast_in_dim3A_5 = vector.broadcast %broadcast_in_dim3A : f32 to vector<16xf32>
    %add3A_6 = arith.constant 0 : i32
    %add3A_7 = arith.addi %mul3A_2, %add3A_6 : i32
    %dma_start3A = arith.constant 0 : i32
    %dma_start3A_8 = tpu.memref_slice %arg2[%add3A_7, %dma_start3A] : memref<4096x2048xf32, #tpu.memory_space<hbm>> -> memref<16x2048xf32, #tpu.memory_space<hbm>>
    %dma_start3A_9 = arith.constant 0 : i32
    %dma_start3A_10 = tpu.memref_slice %arg2[%add3A_7, %dma_start3A_9] : memref<4096x2048xf32, #tpu.memory_space<hbm>> -> memref<16x2048xf32, #tpu.memory_space<hbm>>
    tpu.enqueue_dma source(%dma_start3A_10 : memref<16x2048xf32, #tpu.memory_space<hbm>>) target(%arg5 : memref<16x2048xf32, #tpu.memory_space<vmem>>) target_semaphore(%arg12 : memref<!tpu.dma_semaphore, #tpu.memory_space<semaphore_mem>>)
    %dma_start3A_11 = arith.constant 0 : i32
    %dma_start3A_12 = tpu.memref_slice %arg3[%add3A_7, %dma_start3A_11] : memref<4096x100xi32, #tpu.memory_space<hbm>> -> memref<16x100xi32, #tpu.memory_space<hbm>>
    %dma_start3A_13 = arith.constant 0 : i32
    %dma_start3A_14 = tpu.memref_slice %arg3[%add3A_7, %dma_start3A_13] : memref<4096x100xi32, #tpu.memory_space<hbm>> -> memref<16x100xi32, #tpu.memory_space<hbm>>
    tpu.enqueue_dma source(%dma_start3A_14 : memref<16x100xi32, #tpu.memory_space<hbm>>) target(%arg8 : memref<16x100xi32, #tpu.memory_space<vmem>>) target_semaphore(%arg12 : memref<!tpu.dma_semaphore, #tpu.memory_space<semaphore_mem>>)
    %add3A_15 = arith.constant 16 : i32
    %add3A_16 = arith.addi %mul3A_2, %add3A_15 : i32
    %dma_start3A_17 = arith.constant 0 : i32
    %dma_start3A_18 = tpu.memref_slice %arg2[%add3A_16, %dma_start3A_17] : memref<4096x2048xf32, #tpu.memory_space<hbm>> -> memref<16x2048xf32, #tpu.memory_space<hbm>>
    %dma_start3A_19 = arith.constant 0 : i32
    %dma_start3A_20 = tpu.memref_slice %arg2[%add3A_16, %dma_start3A_19] : memref<4096x2048xf32, #tpu.memory_space<hbm>> -> memref<16x2048xf32, #tpu.memory_space<hbm>>
    tpu.enqueue_dma source(%dma_start3A_20 : memref<16x2048xf32, #tpu.memory_space<hbm>>) target(%arg6 : memref<16x2048xf32, #tpu.memory_space<vmem>>) target_semaphore(%arg13 : memref<!tpu.dma_semaphore, #tpu.memory_space<semaphore_mem>>)
    %dma_start3A_21 = arith.constant 0 : i32
    %dma_start3A_22 = tpu.memref_slice %arg3[%add3A_16, %dma_start3A_21] : memref<4096x100xi32, #tpu.memory_space<hbm>> -> memref<16x100xi32, #tpu.memory_space<hbm>>
    %dma_start3A_23 = arith.constant 0 : i32
    %dma_start3A_24 = tpu.memref_slice %arg3[%add3A_16, %dma_start3A_23] : memref<4096x100xi32, #tpu.memory_space<hbm>> -> memref<16x100xi32, #tpu.memory_space<hbm>>
    tpu.enqueue_dma source(%dma_start3A_24 : memref<16x100xi32, #tpu.memory_space<hbm>>) target(%arg9 : memref<16x100xi32, #tpu.memory_space<vmem>>) target_semaphore(%arg13 : memref<!tpu.dma_semaphore, #tpu.memory_space<semaphore_mem>>)
    %dma_wait3A = arith.constant 0 : i32
    %dma_wait3A_25 = tpu.memref_slice %arg2[%add3A_7, %dma_wait3A] : memref<4096x2048xf32, #tpu.memory_space<hbm>> -> memref<16x2048xf32, #tpu.memory_space<hbm>>
    %dma_wait3A_26 = arith.constant 0 : i32
    %dma_wait3A_27 = tpu.memref_slice %arg2[%add3A_7, %dma_wait3A_26] : memref<4096x2048xf32, #tpu.memory_space<hbm>> -> memref<16x2048xf32, #tpu.memory_space<hbm>>
    tpu.wait_dma2 semaphore(%arg12 : memref<!tpu.dma_semaphore, #tpu.memory_space<semaphore_mem>>) src(%dma_wait3A_27 : memref<16x2048xf32, #tpu.memory_space<hbm>>) dst(%arg5 : memref<16x2048xf32, #tpu.memory_space<vmem>>)
    %dma_wait3A_28 = arith.constant 0 : i32
    %dma_wait3A_29 = tpu.memref_slice %arg3[%add3A_7, %dma_wait3A_28] : memref<4096x100xi32, #tpu.memory_space<hbm>> -> memref<16x100xi32, #tpu.memory_space<hbm>>
    %dma_wait3A_30 = arith.constant 0 : i32
    %dma_wait3A_31 = tpu.memref_slice %arg3[%add3A_7, %dma_wait3A_30] : memref<4096x100xi32, #tpu.memory_space<hbm>> -> memref<16x100xi32, #tpu.memory_space<hbm>>
    tpu.wait_dma2 semaphore(%arg12 : memref<!tpu.dma_semaphore, #tpu.memory_space<semaphore_mem>>) src(%dma_wait3A_31 : memref<16x100xi32, #tpu.memory_space<hbm>>) dst(%arg8 : memref<16x100xi32, #tpu.memory_space<vmem>>)
    %add3A_32 = arith.constant 32 : i32
    %add3A_33 = arith.addi %mul3A_2, %add3A_32 : i32
    %dma_start3A_34 = arith.constant 0 : i32
    %dma_start3A_35 = tpu.memref_slice %arg2[%add3A_33, %dma_start3A_34] : memref<4096x2048xf32, #tpu.memory_space<hbm>> -> memref<16x2048xf32, #tpu.memory_space<hbm>>
    %dma_start3A_36 = arith.constant 0 : i32
    %dma_start3A_37 = tpu.memref_slice %arg2[%add3A_33, %dma_start3A_36] : memref<4096x2048xf32, #tpu.memory_space<hbm>> -> memref<16x2048xf32, #tpu.memory_space<hbm>>
    tpu.enqueue_dma source(%dma_start3A_37 : memref<16x2048xf32, #tpu.memory_space<hbm>>) target(%arg7 : memref<16x2048xf32, #tpu.memory_space<vmem>>) target_semaphore(%arg14 : memref<!tpu.dma_semaphore, #tpu.memory_space<semaphore_mem>>)
    %dma_start3A_38 = arith.constant 0 : i32
    %dma_start3A_39 = tpu.memref_slice %arg3[%add3A_33, %dma_start3A_38] : memref<4096x100xi32, #tpu.memory_space<hbm>> -> memref<16x100xi32, #tpu.memory_space<hbm>>
    %dma_start3A_40 = arith.constant 0 : i32
    %dma_start3A_41 = tpu.memref_slice %arg3[%add3A_33, %dma_start3A_40] : memref<4096x100xi32, #tpu.memory_space<hbm>> -> memref<16x100xi32, #tpu.memory_space<hbm>>
    tpu.enqueue_dma source(%dma_start3A_41 : memref<16x100xi32, #tpu.memory_space<hbm>>) target(%arg10 : memref<16x100xi32, #tpu.memory_space<vmem>>) target_semaphore(%arg14 : memref<!tpu.dma_semaphore, #tpu.memory_space<semaphore_mem>>)
    %scan3A = arith.constant 0 : i32
    %scan3A_42 = arith.constant 16 : i32
    %scan3A_43 = arith.addi %scan3A, %scan3A_42 : i32
    %scan3A_44 = arith.constant 1 : i32
    %scan3A_45 = scf.for %scan3A_199 = %scan3A to %scan3A_43 step %scan3A_44 iter_args(%scan3A_200 = %broadcast_in_dim3A_5) -> (vector<16xf32>)  : i32 {
      %broadcast_in_dim3A_201 = arith.constant 0 : i32
      %broadcast_in_dim3A_202 = vector.broadcast %broadcast_in_dim3A_201 : i32 to vector<16xi32>
      %add3A_203 = vector.broadcast %scan3A_199 : i32 to vector<16xi32>
      %add3A_204 = arith.addi %broadcast_in_dim3A_202, %add3A_203 : vector<16xi32>
      %get3A = arith.index_cast %scan3A_199 : i32 to index
      %get3A_205 = arith.constant 0 : index
      %get3A_206 = tpu.vector_load %arg8[%get3A, %get3A_205] {strides = array<i32>} : memref<16x100xi32, #tpu.memory_space<vmem>>, vector<16xi32>,
      %get3A_207 = arith.index_cast %scan3A_199 : i32 to index
      %get3A_208 = arith.constant 50 : index
      %get3A_209 = tpu.vector_load %arg8[%get3A_207, %get3A_208] {strides = array<i32>} : memref<16x100xi32, #tpu.memory_space<vmem>>, vector<16xi32>,
      %gather3A = tpu.vector_load_idx %arg5[%add3A_204, %get3A_206] : memref<16x2048xf32, #tpu.memory_space<vmem>>[vector<16xi32>, vector<16xi32>], vector<16xf32>,
      %gather3A_210 = tpu.vector_load_idx %arg5[%add3A_204, %get3A_209] : memref<16x2048xf32, #tpu.memory_space<vmem>>[vector<16xi32>, vector<16xi32>], vector<16xf32>,
      %add3A_211 = arith.constant 1.000000e+00 : f32
      %add3A_212 = vector.broadcast %add3A_211 : f32 to vector<16xf32>
      %add3A_213 = arith.addf %add3A_212, %gather3A_210 : vector<16xf32>
      %sub3A = arith.subf %add3A_213, %gather3A : vector<16xf32>
      %max3A = arith.constant 0.000000e+00 : f32
      %max3A_214 = vector.broadcast %max3A : f32 to vector<16xf32>
      %max3A_215 = arith.maximumf %sub3A, %max3A_214 : vector<16xf32>
      %add3A_216 = arith.addf %scan3A_200, %max3A_215 : vector<16xf32>
      %get3A_217 = arith.index_cast %scan3A_199 : i32 to index
      %get3A_218 = arith.constant 16 : index
      %get3A_219 = tpu.vector_load %arg8[%get3A_217, %get3A_218] {strides = array<i32>} : memref<16x100xi32, #tpu.memory_space<vmem>>, vector<16xi32>,
      %get3A_220 = arith.index_cast %scan3A_199 : i32 to index
      %get3A_221 = arith.constant 66 : index
      %get3A_222 = tpu.vector_load %arg8[%get3A_220, %get3A_221] {strides = array<i32>} : memref<16x100xi32, #tpu.memory_space<vmem>>, vector<16xi32>,
      %gather3A_223 = tpu.vector_load_idx %arg5[%add3A_204, %get3A_219] : memref<16x2048xf32, #tpu.memory_space<vmem>>[vector<16xi32>, vector<16xi32>], vector<16xf32>,
      %gather3A_224 = tpu.vector_load_idx %arg5[%add3A_204, %get3A_222] : memref<16x2048xf32, #tpu.memory_space<vmem>>[vector<16xi32>, vector<16xi32>], vector<16xf32>,
      %add3A_225 = arith.constant 1.000000e+00 : f32
      %add3A_226 = vector.broadcast %add3A_225 : f32 to vector<16xf32>
      %add3A_227 = arith.addf %add3A_226, %gather3A_224 : vector<16xf32>
      %sub3A_228 = arith.subf %add3A_227, %gather3A_223 : vector<16xf32>
      %max3A_229 = arith.constant 0.000000e+00 : f32
      %max3A_230 = vector.broadcast %max3A_229 : f32 to vector<16xf32>
      %max3A_231 = arith.maximumf %sub3A_228, %max3A_230 : vector<16xf32>
      %add3A_232 = arith.addf %add3A_216, %max3A_231 : vector<16xf32>
      %get3A_233 = arith.index_cast %scan3A_199 : i32 to index
      %get3A_234 = arith.constant 32 : index
      %get3A_235 = tpu.vector_load %arg8[%get3A_233, %get3A_234] {strides = array<i32>} : memref<16x100xi32, #tpu.memory_space<vmem>>, vector<16xi32>,
      %get3A_236 = arith.index_cast %scan3A_199 : i32 to index
      %get3A_237 = arith.constant 82 : index
      %get3A_238 = tpu.vector_load %arg8[%get3A_236, %get3A_237] {strides = array<i32>} : memref<16x100xi32, #tpu.memory_space<vmem>>, vector<16xi32>,
      %gather3A_239 = tpu.vector_load_idx %arg5[%add3A_204, %get3A_235] : memref<16x2048xf32, #tpu.memory_space<vmem>>[vector<16xi32>, vector<16xi32>], vector<16xf32>,
      %gather3A_240 = tpu.vector_load_idx %arg5[%add3A_204, %get3A_238] : memref<16x2048xf32, #tpu.memory_space<vmem>>[vector<16xi32>, vector<16xi32>], vector<16xf32>,
      %add3A_241 = arith.constant 1.000000e+00 : f32
      %add3A_242 = vector.broadcast %add3A_241 : f32 to vector<16xf32>
      %add3A_243 = arith.addf %add3A_242, %gather3A_240 : vector<16xf32>
      %sub3A_244 = arith.subf %add3A_243, %gather3A_239 : vector<16xf32>
      %max3A_245 = arith.constant 0.000000e+00 : f32
      %max3A_246 = vector.broadcast %max3A_245 : f32 to vector<16xf32>
      %max3A_247 = arith.maximumf %sub3A_244, %max3A_246 : vector<16xf32>
      %add3A_248 = arith.addf %add3A_232, %max3A_247 : vector<16xf32>
      %get3A_249 = arith.index_cast %scan3A_199 : i32 to index
      %get3A_250 = arith.constant 34 : index
      %get3A_251 = tpu.vector_load %arg8[%get3A_249, %get3A_250] {strides = array<i32>} : memref<16x100xi32, #tpu.memory_space<vmem>>, vector<16xi32>,
      %get3A_252 = arith.index_cast %scan3A_199 : i32 to index
      %get3A_253 = arith.constant 84 : index
      %get3A_254 = tpu.vector_load %arg8[%get3A_252, %get3A_253] {strides = array<i32>} : memref<16x100xi32, #tpu.memory_space<vmem>>, vector<16xi32>,
      %gather3A_255 = tpu.vector_load_idx %arg5[%add3A_204, %get3A_251] : memref<16x2048xf32, #tpu.memory_space<vmem>>[vector<16xi32>, vector<16xi32>], vector<16xf32>,
      %gather3A_256 = tpu.vector_load_idx %arg5[%add3A_204, %get3A_254] : memref<16x2048xf32, #tpu.memory_space<vmem>>[vector<16xi32>, vector<16xi32>], vector<16xf32>,
      %add3A_257 = arith.constant 1.000000e+00 : f32
      %add3A_258 = vector.broadcast %add3A_257 : f32 to vector<16xf32>
      %add3A_259 = arith.addf %add3A_258, %gather3A_256 : vector<16xf32>
      %sub3A_260 = arith.subf %add3A_259, %gather3A_255 : vector<16xf32>
      %max3A_261 = arith.constant 0.000000e+00 : f32
      %max3A_262 = vector.broadcast %max3A_261 : f32 to vector<16xf32>
      %max3A_263 = arith.maximumf %sub3A_260, %max3A_262 : vector<16xf32>
      %select_n3A = arith.select %ge3A_4, %max3A_263, %broadcast_in_dim3A_5 : vector<16xi1>, vector<16xf32>
      %add3A_264 = arith.addf %add3A_248, %select_n3A : vector<16xf32>
      scf.yield %add3A_264 : vector<16xf32>
    }
    %scan3A_46 = arith.constant 16 : i32
    %dma_wait3A_47 = arith.constant 0 : i32
    %dma_wait3A_48 = tpu.memref_slice %arg2[%add3A_16, %dma_wait3A_47] : memref<4096x2048xf32, #tpu.memory_space<hbm>> -> memref<16x2048xf32, #tpu.memory_space<hbm>>
    %dma_wait3A_49 = arith.constant 0 : i32
    %dma_wait3A_50 = tpu.memref_slice %arg2[%add3A_16, %dma_wait3A_49] : memref<4096x2048xf32, #tpu.memory_space<hbm>> -> memref<16x2048xf32, #tpu.memory_space<hbm>>
    tpu.wait_dma2 semaphore(%arg13 : memref<!tpu.dma_semaphore, #tpu.memory_space<semaphore_mem>>) src(%dma_wait3A_50 : memref<16x2048xf32, #tpu.memory_space<hbm>>) dst(%arg6 : memref<16x2048xf32, #tpu.memory_space<vmem>>)
    %dma_wait3A_51 = arith.constant 0 : i32
    %dma_wait3A_52 = tpu.memref_slice %arg3[%add3A_16, %dma_wait3A_51] : memref<4096x100xi32, #tpu.memory_space<hbm>> -> memref<16x100xi32, #tpu.memory_space<hbm>>
    %dma_wait3A_53 = arith.constant 0 : i32
    %dma_wait3A_54 = tpu.memref_slice %arg3[%add3A_16, %dma_wait3A_53] : memref<4096x100xi32, #tpu.memory_space<hbm>> -> memref<16x100xi32, #tpu.memory_space<hbm>>
    tpu.wait_dma2 semaphore(%arg13 : memref<!tpu.dma_semaphore, #tpu.memory_space<semaphore_mem>>) src(%dma_wait3A_54 : memref<16x100xi32, #tpu.memory_space<hbm>>) dst(%arg9 : memref<16x100xi32, #tpu.memory_space<vmem>>)
    %add3A_55 = arith.constant 48 : i32
    %add3A_56 = arith.addi %mul3A_2, %add3A_55 : i32
    %dma_start3A_57 = arith.constant 0 : i32
    %dma_start3A_58 = tpu.memref_slice %arg2[%add3A_56, %dma_start3A_57] : memref<4096x2048xf32, #tpu.memory_space<hbm>> -> memref<16x2048xf32, #tpu.memory_space<hbm>>
    %dma_start3A_59 = arith.constant 0 : i32
    %dma_start3A_60 = tpu.memref_slice %arg2[%add3A_56, %dma_start3A_59] : memref<4096x2048xf32, #tpu.memory_space<hbm>> -> memref<16x2048xf32, #tpu.memory_space<hbm>>
    tpu.enqueue_dma source(%dma_start3A_60 : memref<16x2048xf32, #tpu.memory_space<hbm>>) target(%arg5 : memref<16x2048xf32, #tpu.memory_space<vmem>>) target_semaphore(%arg12 : memref<!tpu.dma_semaphore, #tpu.memory_space<semaphore_mem>>)
    %dma_start3A_61 = arith.constant 0 : i32
    %dma_start3A_62 = tpu.memref_slice %arg3[%add3A_56, %dma_start3A_61] : memref<4096x100xi32, #tpu.memory_space<hbm>> -> memref<16x100xi32, #tpu.memory_space<hbm>>
    %dma_start3A_63 = arith.constant 0 : i32
    %dma_start3A_64 = tpu.memref_slice %arg3[%add3A_56, %dma_start3A_63] : memref<4096x100xi32, #tpu.memory_space<hbm>> -> memref<16x100xi32, #tpu.memory_space<hbm>>
    tpu.enqueue_dma source(%dma_start3A_64 : memref<16x100xi32, #tpu.memory_space<hbm>>) target(%arg8 : memref<16x100xi32, #tpu.memory_space<vmem>>) target_semaphore(%arg12 : memref<!tpu.dma_semaphore, #tpu.memory_space<semaphore_mem>>)
    %scan3A_65 = arith.constant 0 : i32
    %scan3A_66 = arith.constant 16 : i32
    %scan3A_67 = arith.addi %scan3A_65, %scan3A_66 : i32
    %scan3A_68 = arith.constant 1 : i32
    %scan3A_69 = scf.for %scan3A_199 = %scan3A_65 to %scan3A_67 step %scan3A_68 iter_args(%scan3A_200 = %scan3A_45) -> (vector<16xf32>)  : i32 {
      %broadcast_in_dim3A_201 = arith.constant 0 : i32
      %broadcast_in_dim3A_202 = vector.broadcast %broadcast_in_dim3A_201 : i32 to vector<16xi32>
      %add3A_203 = vector.broadcast %scan3A_199 : i32 to vector<16xi32>
      %add3A_204 = arith.addi %broadcast_in_dim3A_202, %add3A_203 : vector<16xi32>
      %get3A = arith.index_cast %scan3A_199 : i32 to index
      %get3A_205 = arith.constant 0 : index
      %get3A_206 = tpu.vector_load %arg9[%get3A, %get3A_205] {strides = array<i32>} : memref<16x100xi32, #tpu.memory_space<vmem>>, vector<16xi32>,
      %get3A_207 = arith.index_cast %scan3A_199 : i32 to index
      %get3A_208 = arith.constant 50 : index
      %get3A_209 = tpu.vector_load %arg9[%get3A_207, %get3A_208] {strides = array<i32>} : memref<16x100xi32, #tpu.memory_space<vmem>>, vector<16xi32>,
      %gather3A = tpu.vector_load_idx %arg6[%add3A_204, %get3A_206] : memref<16x2048xf32, #tpu.memory_space<vmem>>[vector<16xi32>, vector<16xi32>], vector<16xf32>,
      %gather3A_210 = tpu.vector_load_idx %arg6[%add3A_204, %get3A_209] : memref<16x2048xf32, #tpu.memory_space<vmem>>[vector<16xi32>, vector<16xi32>], vector<16xf32>,
      %add3A_211 = arith.constant 1.000000e+00 : f32
      %add3A_212 = vector.broadcast %add3A_211 : f32 to vector<16xf32>
      %add3A_213 = arith.addf %add3A_212, %gather3A_210 : vector<16xf32>
      %sub3A = arith.subf %add3A_213, %gather3A : vector<16xf32>
      %max3A = arith.constant 0.000000e+00 : f32
      %max3A_214 = vector.broadcast %max3A : f32 to vector<16xf32>
      %max3A_215 = arith.maximumf %sub3A, %max3A_214 : vector<16xf32>
      %add3A_216 = arith.addf %scan3A_200, %max3A_215 : vector<16xf32>
      %get3A_217 = arith.index_cast %scan3A_199 : i32 to index
      %get3A_218 = arith.constant 16 : index
      %get3A_219 = tpu.vector_load %arg9[%get3A_217, %get3A_218] {strides = array<i32>} : memref<16x100xi32, #tpu.memory_space<vmem>>, vector<16xi32>,
      %get3A_220 = arith.index_cast %scan3A_199 : i32 to index
      %get3A_221 = arith.constant 66 : index
      %get3A_222 = tpu.vector_load %arg9[%get3A_220, %get3A_221] {strides = array<i32>} : memref<16x100xi32, #tpu.memory_space<vmem>>, vector<16xi32>,
      %gather3A_223 = tpu.vector_load_idx %arg6[%add3A_204, %get3A_219] : memref<16x2048xf32, #tpu.memory_space<vmem>>[vector<16xi32>, vector<16xi32>], vector<16xf32>,
      %gather3A_224 = tpu.vector_load_idx %arg6[%add3A_204, %get3A_222] : memref<16x2048xf32, #tpu.memory_space<vmem>>[vector<16xi32>, vector<16xi32>], vector<16xf32>,
      %add3A_225 = arith.constant 1.000000e+00 : f32
      %add3A_226 = vector.broadcast %add3A_225 : f32 to vector<16xf32>
      %add3A_227 = arith.addf %add3A_226, %gather3A_224 : vector<16xf32>
      %sub3A_228 = arith.subf %add3A_227, %gather3A_223 : vector<16xf32>
      %max3A_229 = arith.constant 0.000000e+00 : f32
      %max3A_230 = vector.broadcast %max3A_229 : f32 to vector<16xf32>
      %max3A_231 = arith.maximumf %sub3A_228, %max3A_230 : vector<16xf32>
      %add3A_232 = arith.addf %add3A_216, %max3A_231 : vector<16xf32>
      %get3A_233 = arith.index_cast %scan3A_199 : i32 to index
      %get3A_234 = arith.constant 32 : index
      %get3A_235 = tpu.vector_load %arg9[%get3A_233, %get3A_234] {strides = array<i32>} : memref<16x100xi32, #tpu.memory_space<vmem>>, vector<16xi32>,
      %get3A_236 = arith.index_cast %scan3A_199 : i32 to index
      %get3A_237 = arith.constant 82 : index
      %get3A_238 = tpu.vector_load %arg9[%get3A_236, %get3A_237] {strides = array<i32>} : memref<16x100xi32, #tpu.memory_space<vmem>>, vector<16xi32>,
      %gather3A_239 = tpu.vector_load_idx %arg6[%add3A_204, %get3A_235] : memref<16x2048xf32, #tpu.memory_space<vmem>>[vector<16xi32>, vector<16xi32>], vector<16xf32>,
      %gather3A_240 = tpu.vector_load_idx %arg6[%add3A_204, %get3A_238] : memref<16x2048xf32, #tpu.memory_space<vmem>>[vector<16xi32>, vector<16xi32>], vector<16xf32>,
      %add3A_241 = arith.constant 1.000000e+00 : f32
      %add3A_242 = vector.broadcast %add3A_241 : f32 to vector<16xf32>
      %add3A_243 = arith.addf %add3A_242, %gather3A_240 : vector<16xf32>
      %sub3A_244 = arith.subf %add3A_243, %gather3A_239 : vector<16xf32>
      %max3A_245 = arith.constant 0.000000e+00 : f32
      %max3A_246 = vector.broadcast %max3A_245 : f32 to vector<16xf32>
      %max3A_247 = arith.maximumf %sub3A_244, %max3A_246 : vector<16xf32>
      %add3A_248 = arith.addf %add3A_232, %max3A_247 : vector<16xf32>
      %get3A_249 = arith.index_cast %scan3A_199 : i32 to index
      %get3A_250 = arith.constant 34 : index
      %get3A_251 = tpu.vector_load %arg9[%get3A_249, %get3A_250] {strides = array<i32>} : memref<16x100xi32, #tpu.memory_space<vmem>>, vector<16xi32>,
      %get3A_252 = arith.index_cast %scan3A_199 : i32 to index
      %get3A_253 = arith.constant 84 : index
      %get3A_254 = tpu.vector_load %arg9[%get3A_252, %get3A_253] {strides = array<i32>} : memref<16x100xi32, #tpu.memory_space<vmem>>, vector<16xi32>,
      %gather3A_255 = tpu.vector_load_idx %arg6[%add3A_204, %get3A_251] : memref<16x2048xf32, #tpu.memory_space<vmem>>[vector<16xi32>, vector<16xi32>], vector<16xf32>,
      %gather3A_256 = tpu.vector_load_idx %arg6[%add3A_204, %get3A_254] : memref<16x2048xf32, #tpu.memory_space<vmem>>[vector<16xi32>, vector<16xi32>], vector<16xf32>,
      %add3A_257 = arith.constant 1.000000e+00 : f32
      %add3A_258 = vector.broadcast %add3A_257 : f32 to vector<16xf32>
      %add3A_259 = arith.addf %add3A_258, %gather3A_256 : vector<16xf32>
      %sub3A_260 = arith.subf %add3A_259, %gather3A_255 : vector<16xf32>
      %max3A_261 = arith.constant 0.000000e+00 : f32
      %max3A_262 = vector.broadcast %max3A_261 : f32 to vector<16xf32>
      %max3A_263 = arith.maximumf %sub3A_260, %max3A_262 : vector<16xf32>
      %select_n3A = arith.select %ge3A_4, %max3A_263, %broadcast_in_dim3A_5 : vector<16xi1>, vector<16xf32>
      %add3A_264 = arith.addf %add3A_248, %select_n3A : vector<16xf32>
      scf.yield %add3A_264 : vector<16xf32>
    }
    %scan3A_70 = arith.constant 16 : i32
    %dma_wait3A_71 = arith.constant 0 : i32
    %dma_wait3A_72 = tpu.memref_slice %arg2[%add3A_33, %dma_wait3A_71] : memref<4096x2048xf32, #tpu.memory_space<hbm>> -> memref<16x2048xf32, #tpu.memory_space<hbm>>
    %dma_wait3A_73 = arith.constant 0 : i32
    %dma_wait3A_74 = tpu.memref_slice %arg2[%add3A_33, %dma_wait3A_73] : memref<4096x2048xf32, #tpu.memory_space<hbm>> -> memref<16x2048xf32, #tpu.memory_space<hbm>>
    tpu.wait_dma2 semaphore(%arg14 : memref<!tpu.dma_semaphore, #tpu.memory_space<semaphore_mem>>) src(%dma_wait3A_74 : memref<16x2048xf32, #tpu.memory_space<hbm>>) dst(%arg7 : memref<16x2048xf32, #tpu.memory_space<vmem>>)
    %dma_wait3A_75 = arith.constant 0 : i32
    %dma_wait3A_76 = tpu.memref_slice %arg3[%add3A_33, %dma_wait3A_75] : memref<4096x100xi32, #tpu.memory_space<hbm>> -> memref<16x100xi32, #tpu.memory_space<hbm>>
    %dma_wait3A_77 = arith.constant 0 : i32
    %dma_wait3A_78 = tpu.memref_slice %arg3[%add3A_33, %dma_wait3A_77] : memref<4096x100xi32, #tpu.memory_space<hbm>> -> memref<16x100xi32, #tpu.memory_space<hbm>>
    tpu.wait_dma2 semaphore(%arg14 : memref<!tpu.dma_semaphore, #tpu.memory_space<semaphore_mem>>) src(%dma_wait3A_78 : memref<16x100xi32, #tpu.memory_space<hbm>>) dst(%arg10 : memref<16x100xi32, #tpu.memory_space<vmem>>)
    %add3A_79 = arith.constant 64 : i32
    %add3A_80 = arith.addi %mul3A_2, %add3A_79 : i32
    %dma_start3A_81 = arith.constant 0 : i32
    %dma_start3A_82 = tpu.memref_slice %arg2[%add3A_80, %dma_start3A_81] : memref<4096x2048xf32, #tpu.memory_space<hbm>> -> memref<16x2048xf32, #tpu.memory_space<hbm>>
    %dma_start3A_83 = arith.constant 0 : i32
    %dma_start3A_84 = tpu.memref_slice %arg2[%add3A_80, %dma_start3A_83] : memref<4096x2048xf32, #tpu.memory_space<hbm>> -> memref<16x2048xf32, #tpu.memory_space<hbm>>
    tpu.enqueue_dma source(%dma_start3A_84 : memref<16x2048xf32, #tpu.memory_space<hbm>>) target(%arg6 : memref<16x2048xf32, #tpu.memory_space<vmem>>) target_semaphore(%arg13 : memref<!tpu.dma_semaphore, #tpu.memory_space<semaphore_mem>>)
    %dma_start3A_85 = arith.constant 0 : i32
    %dma_start3A_86 = tpu.memref_slice %arg3[%add3A_80, %dma_start3A_85] : memref<4096x100xi32, #tpu.memory_space<hbm>> -> memref<16x100xi32, #tpu.memory_space<hbm>>
    %dma_start3A_87 = arith.constant 0 : i32
    %dma_start3A_88 = tpu.memref_slice %arg3[%add3A_80, %dma_start3A_87] : memref<4096x100xi32, #tpu.memory_space<hbm>> -> memref<16x100xi32, #tpu.memory_space<hbm>>
    tpu.enqueue_dma source(%dma_start3A_88 : memref<16x100xi32, #tpu.memory_space<hbm>>) target(%arg9 : memref<16x100xi32, #tpu.memory_space<vmem>>) target_semaphore(%arg13 : memref<!tpu.dma_semaphore, #tpu.memory_space<semaphore_mem>>)
    %scan3A_89 = arith.constant 0 : i32
    %scan3A_90 = arith.constant 16 : i32
    %scan3A_91 = arith.addi %scan3A_89, %scan3A_90 : i32
    %scan3A_92 = arith.constant 1 : i32
    %scan3A_93 = scf.for %scan3A_199 = %scan3A_89 to %scan3A_91 step %scan3A_92 iter_args(%scan3A_200 = %scan3A_69) -> (vector<16xf32>)  : i32 {
      %broadcast_in_dim3A_201 = arith.constant 0 : i32
      %broadcast_in_dim3A_202 = vector.broadcast %broadcast_in_dim3A_201 : i32 to vector<16xi32>
      %add3A_203 = vector.broadcast %scan3A_199 : i32 to vector<16xi32>
      %add3A_204 = arith.addi %broadcast_in_dim3A_202, %add3A_203 : vector<16xi32>
      %get3A = arith.index_cast %scan3A_199 : i32 to index
      %get3A_205 = arith.constant 0 : index
      %get3A_206 = tpu.vector_load %arg10[%get3A, %get3A_205] {strides = array<i32>} : memref<16x100xi32, #tpu.memory_space<vmem>>, vector<16xi32>,
      %get3A_207 = arith.index_cast %scan3A_199 : i32 to index
      %get3A_208 = arith.constant 50 : index
      %get3A_209 = tpu.vector_load %arg10[%get3A_207, %get3A_208] {strides = array<i32>} : memref<16x100xi32, #tpu.memory_space<vmem>>, vector<16xi32>,
      %gather3A = tpu.vector_load_idx %arg7[%add3A_204, %get3A_206] : memref<16x2048xf32, #tpu.memory_space<vmem>>[vector<16xi32>, vector<16xi32>], vector<16xf32>,
      %gather3A_210 = tpu.vector_load_idx %arg7[%add3A_204, %get3A_209] : memref<16x2048xf32, #tpu.memory_space<vmem>>[vector<16xi32>, vector<16xi32>], vector<16xf32>,
      %add3A_211 = arith.constant 1.000000e+00 : f32
      %add3A_212 = vector.broadcast %add3A_211 : f32 to vector<16xf32>
      %add3A_213 = arith.addf %add3A_212, %gather3A_210 : vector<16xf32>
      %sub3A = arith.subf %add3A_213, %gather3A : vector<16xf32>
      %max3A = arith.constant 0.000000e+00 : f32
      %max3A_214 = vector.broadcast %max3A : f32 to vector<16xf32>
      %max3A_215 = arith.maximumf %sub3A, %max3A_214 : vector<16xf32>
      %add3A_216 = arith.addf %scan3A_200, %max3A_215 : vector<16xf32>
      %get3A_217 = arith.index_cast %scan3A_199 : i32 to index
      %get3A_218 = arith.constant 16 : index
      %get3A_219 = tpu.vector_load %arg10[%get3A_217, %get3A_218] {strides = array<i32>} : memref<16x100xi32, #tpu.memory_space<vmem>>, vector<16xi32>,
      %get3A_220 = arith.index_cast %scan3A_199 : i32 to index
      %get3A_221 = arith.constant 66 : index
      %get3A_222 = tpu.vector_load %arg10[%get3A_220, %get3A_221] {strides = array<i32>} : memref<16x100xi32, #tpu.memory_space<vmem>>, vector<16xi32>,
      %gather3A_223 = tpu.vector_load_idx %arg7[%add3A_204, %get3A_219] : memref<16x2048xf32, #tpu.memory_space<vmem>>[vector<16xi32>, vector<16xi32>], vector<16xf32>,
      %gather3A_224 = tpu.vector_load_idx %arg7[%add3A_204, %get3A_222] : memref<16x2048xf32, #tpu.memory_space<vmem>>[vector<16xi32>, vector<16xi32>], vector<16xf32>,
      %add3A_225 = arith.constant 1.000000e+00 : f32
      %add3A_226 = vector.broadcast %add3A_225 : f32 to vector<16xf32>
      %add3A_227 = arith.addf %add3A_226, %gather3A_224 : vector<16xf32>
      %sub3A_228 = arith.subf %add3A_227, %gather3A_223 : vector<16xf32>
      %max3A_229 = arith.constant 0.000000e+00 : f32
      %max3A_230 = vector.broadcast %max3A_229 : f32 to vector<16xf32>
      %max3A_231 = arith.maximumf %sub3A_228, %max3A_230 : vector<16xf32>
      %add3A_232 = arith.addf %add3A_216, %max3A_231 : vector<16xf32>
      %get3A_233 = arith.index_cast %scan3A_199 : i32 to index
      %get3A_234 = arith.constant 32 : index
      %get3A_235 = tpu.vector_load %arg10[%get3A_233, %get3A_234] {strides = array<i32>} : memref<16x100xi32, #tpu.memory_space<vmem>>, vector<16xi32>,
      %get3A_236 = arith.index_cast %scan3A_199 : i32 to index
      %get3A_237 = arith.constant 82 : index
      %get3A_238 = tpu.vector_load %arg10[%get3A_236, %get3A_237] {strides = array<i32>} : memref<16x100xi32, #tpu.memory_space<vmem>>, vector<16xi32>,
      %gather3A_239 = tpu.vector_load_idx %arg7[%add3A_204, %get3A_235] : memref<16x2048xf32, #tpu.memory_space<vmem>>[vector<16xi32>, vector<16xi32>], vector<16xf32>,
      %gather3A_240 = tpu.vector_load_idx %arg7[%add3A_204, %get3A_238] : memref<16x2048xf32, #tpu.memory_space<vmem>>[vector<16xi32>, vector<16xi32>], vector<16xf32>,
      %add3A_241 = arith.constant 1.000000e+00 : f32
      %add3A_242 = vector.broadcast %add3A_241 : f32 to vector<16xf32>
      %add3A_243 = arith.addf %add3A_242, %gather3A_240 : vector<16xf32>
      %sub3A_244 = arith.subf %add3A_243, %gather3A_239 : vector<16xf32>
      %max3A_245 = arith.constant 0.000000e+00 : f32
      %max3A_246 = vector.broadcast %max3A_245 : f32 to vector<16xf32>
      %max3A_247 = arith.maximumf %sub3A_244, %max3A_246 : vector<16xf32>
      %add3A_248 = arith.addf %add3A_232, %max3A_247 : vector<16xf32>
      %get3A_249 = arith.index_cast %scan3A_199 : i32 to index
      %get3A_250 = arith.constant 34 : index
      %get3A_251 = tpu.vector_load %arg10[%get3A_249, %get3A_250] {strides = array<i32>} : memref<16x100xi32, #tpu.memory_space<vmem>>, vector<16xi32>,
      %get3A_252 = arith.index_cast %scan3A_199 : i32 to index
      %get3A_253 = arith.constant 84 : index
      %get3A_254 = tpu.vector_load %arg10[%get3A_252, %get3A_253] {strides = array<i32>} : memref<16x100xi32, #tpu.memory_space<vmem>>, vector<16xi32>,
      %gather3A_255 = tpu.vector_load_idx %arg7[%add3A_204, %get3A_251] : memref<16x2048xf32, #tpu.memory_space<vmem>>[vector<16xi32>, vector<16xi32>], vector<16xf32>,
      %gather3A_256 = tpu.vector_load_idx %arg7[%add3A_204, %get3A_254] : memref<16x2048xf32, #tpu.memory_space<vmem>>[vector<16xi32>, vector<16xi32>], vector<16xf32>,
      %add3A_257 = arith.constant 1.000000e+00 : f32
      %add3A_258 = vector.broadcast %add3A_257 : f32 to vector<16xf32>
      %add3A_259 = arith.addf %add3A_258, %gather3A_256 : vector<16xf32>
      %sub3A_260 = arith.subf %add3A_259, %gather3A_255 : vector<16xf32>
      %max3A_261 = arith.constant 0.000000e+00 : f32
      %max3A_262 = vector.broadcast %max3A_261 : f32 to vector<16xf32>
      %max3A_263 = arith.maximumf %sub3A_260, %max3A_262 : vector<16xf32>
      %select_n3A = arith.select %ge3A_4, %max3A_263, %broadcast_in_dim3A_5 : vector<16xi1>, vector<16xf32>
      %add3A_264 = arith.addf %add3A_248, %select_n3A : vector<16xf32>
      scf.yield %add3A_264 : vector<16xf32>
    }
    %scan3A_94 = arith.constant 16 : i32
    %dma_wait3A_95 = arith.constant 0 : i32
    %dma_wait3A_96 = tpu.memref_slice %arg2[%add3A_56, %dma_wait3A_95] : memref<4096x2048xf32, #tpu.memory_space<hbm>> -> memref<16x2048xf32, #tpu.memory_space<hbm>>
    %dma_wait3A_97 = arith.constant 0 : i32
    %dma_wait3A_98 = tpu.memref_slice %arg2[%add3A_56, %dma_wait3A_97] : memref<4096x2048xf32, #tpu.memory_space<hbm>> -> memref<16x2048xf32, #tpu.memory_space<hbm>>
    tpu.wait_dma2 semaphore(%arg12 : memref<!tpu.dma_semaphore, #tpu.memory_space<semaphore_mem>>) src(%dma_wait3A_98 : memref<16x2048xf32, #tpu.memory_space<hbm>>) dst(%arg5 : memref<16x2048xf32, #tpu.memory_space<vmem>>)
    %dma_wait3A_99 = arith.constant 0 : i32
    %dma_wait3A_100 = tpu.memref_slice %arg3[%add3A_56, %dma_wait3A_99] : memref<4096x100xi32, #tpu.memory_space<hbm>> -> memref<16x100xi32, #tpu.memory_space<hbm>>
    %dma_wait3A_101 = arith.constant 0 : i32
    %dma_wait3A_102 = tpu.memref_slice %arg3[%add3A_56, %dma_wait3A_101] : memref<4096x100xi32, #tpu.memory_space<hbm>> -> memref<16x100xi32, #tpu.memory_space<hbm>>
    tpu.wait_dma2 semaphore(%arg12 : memref<!tpu.dma_semaphore, #tpu.memory_space<semaphore_mem>>) src(%dma_wait3A_102 : memref<16x100xi32, #tpu.memory_space<hbm>>) dst(%arg8 : memref<16x100xi32, #tpu.memory_space<vmem>>)
    %add3A_103 = arith.constant 80 : i32
    %add3A_104 = arith.addi %mul3A_2, %add3A_103 : i32
    %dma_start3A_105 = arith.constant 0 : i32
    %dma_start3A_106 = tpu.memref_slice %arg2[%add3A_104, %dma_start3A_105] : memref<4096x2048xf32, #tpu.memory_space<hbm>> -> memref<16x2048xf32, #tpu.memory_space<hbm>>
    %dma_start3A_107 = arith.constant 0 : i32
    %dma_start3A_108 = tpu.memref_slice %arg2[%add3A_104, %dma_start3A_107] : memref<4096x2048xf32, #tpu.memory_space<hbm>> -> memref<16x2048xf32, #tpu.memory_space<hbm>>
    tpu.enqueue_dma source(%dma_start3A_108 : memref<16x2048xf32, #tpu.memory_space<hbm>>) target(%arg7 : memref<16x2048xf32, #tpu.memory_space<vmem>>) target_semaphore(%arg14 : memref<!tpu.dma_semaphore, #tpu.memory_space<semaphore_mem>>)
    %dma_start3A_109 = arith.constant 0 : i32
    %dma_start3A_110 = tpu.memref_slice %arg3[%add3A_104, %dma_start3A_109] : memref<4096x100xi32, #tpu.memory_space<hbm>> -> memref<16x100xi32, #tpu.memory_space<hbm>>
    %dma_start3A_111 = arith.constant 0 : i32
    %dma_start3A_112 = tpu.memref_slice %arg3[%add3A_104, %dma_start3A_111] : memref<4096x100xi32, #tpu.memory_space<hbm>> -> memref<16x100xi32, #tpu.memory_space<hbm>>
    tpu.enqueue_dma source(%dma_start3A_112 : memref<16x100xi32, #tpu.memory_space<hbm>>) target(%arg10 : memref<16x100xi32, #tpu.memory_space<vmem>>) target_semaphore(%arg14 : memref<!tpu.dma_semaphore, #tpu.memory_space<semaphore_mem>>)
    %scan3A_113 = arith.constant 0 : i32
    %scan3A_114 = arith.constant 16 : i32
    %scan3A_115 = arith.addi %scan3A_113, %scan3A_114 : i32
    %scan3A_116 = arith.constant 1 : i32
    %scan3A_117 = scf.for %scan3A_199 = %scan3A_113 to %scan3A_115 step %scan3A_116 iter_args(%scan3A_200 = %scan3A_93) -> (vector<16xf32>)  : i32 {
      %broadcast_in_dim3A_201 = arith.constant 0 : i32
      %broadcast_in_dim3A_202 = vector.broadcast %broadcast_in_dim3A_201 : i32 to vector<16xi32>
      %add3A_203 = vector.broadcast %scan3A_199 : i32 to vector<16xi32>
      %add3A_204 = arith.addi %broadcast_in_dim3A_202, %add3A_203 : vector<16xi32>
      %get3A = arith.index_cast %scan3A_199 : i32 to index
      %get3A_205 = arith.constant 0 : index
      %get3A_206 = tpu.vector_load %arg8[%get3A, %get3A_205] {strides = array<i32>} : memref<16x100xi32, #tpu.memory_space<vmem>>, vector<16xi32>,
      %get3A_207 = arith.index_cast %scan3A_199 : i32 to index
      %get3A_208 = arith.constant 50 : index
      %get3A_209 = tpu.vector_load %arg8[%get3A_207, %get3A_208] {strides = array<i32>} : memref<16x100xi32, #tpu.memory_space<vmem>>, vector<16xi32>,
      %gather3A = tpu.vector_load_idx %arg5[%add3A_204, %get3A_206] : memref<16x2048xf32, #tpu.memory_space<vmem>>[vector<16xi32>, vector<16xi32>], vector<16xf32>,
      %gather3A_210 = tpu.vector_load_idx %arg5[%add3A_204, %get3A_209] : memref<16x2048xf32, #tpu.memory_space<vmem>>[vector<16xi32>, vector<16xi32>], vector<16xf32>,
      %add3A_211 = arith.constant 1.000000e+00 : f32
      %add3A_212 = vector.broadcast %add3A_211 : f32 to vector<16xf32>
      %add3A_213 = arith.addf %add3A_212, %gather3A_210 : vector<16xf32>
      %sub3A = arith.subf %add3A_213, %gather3A : vector<16xf32>
      %max3A = arith.constant 0.000000e+00 : f32
      %max3A_214 = vector.broadcast %max3A : f32 to vector<16xf32>
      %max3A_215 = arith.maximumf %sub3A, %max3A_214 : vector<16xf32>
      %add3A_216 = arith.addf %scan3A_200, %max3A_215 : vector<16xf32>
      %get3A_217 = arith.index_cast %scan3A_199 : i32 to index
      %get3A_218 = arith.constant 16 : index
      %get3A_219 = tpu.vector_load %arg8[%get3A_217, %get3A_218] {strides = array<i32>} : memref<16x100xi32, #tpu.memory_space<vmem>>, vector<16xi32>,
      %get3A_220 = arith.index_cast %scan3A_199 : i32 to index
      %get3A_221 = arith.constant 66 : index
      %get3A_222 = tpu.vector_load %arg8[%get3A_220, %get3A_221] {strides = array<i32>} : memref<16x100xi32, #tpu.memory_space<vmem>>, vector<16xi32>,
      %gather3A_223 = tpu.vector_load_idx %arg5[%add3A_204, %get3A_219] : memref<16x2048xf32, #tpu.memory_space<vmem>>[vector<16xi32>, vector<16xi32>], vector<16xf32>,
      %gather3A_224 = tpu.vector_load_idx %arg5[%add3A_204, %get3A_222] : memref<16x2048xf32, #tpu.memory_space<vmem>>[vector<16xi32>, vector<16xi32>], vector<16xf32>,
      %add3A_225 = arith.constant 1.000000e+00 : f32
      %add3A_226 = vector.broadcast %add3A_225 : f32 to vector<16xf32>
      %add3A_227 = arith.addf %add3A_226, %gather3A_224 : vector<16xf32>
      %sub3A_228 = arith.subf %add3A_227, %gather3A_223 : vector<16xf32>
      %max3A_229 = arith.constant 0.000000e+00 : f32
      %max3A_230 = vector.broadcast %max3A_229 : f32 to vector<16xf32>
      %max3A_231 = arith.maximumf %sub3A_228, %max3A_230 : vector<16xf32>
      %add3A_232 = arith.addf %add3A_216, %max3A_231 : vector<16xf32>
      %get3A_233 = arith.index_cast %scan3A_199 : i32 to index
      %get3A_234 = arith.constant 32 : index
      %get3A_235 = tpu.vector_load %arg8[%get3A_233, %get3A_234] {strides = array<i32>} : memref<16x100xi32, #tpu.memory_space<vmem>>, vector<16xi32>,
      %get3A_236 = arith.index_cast %scan3A_199 : i32 to index
      %get3A_237 = arith.constant 82 : index
      %get3A_238 = tpu.vector_load %arg8[%get3A_236, %get3A_237] {strides = array<i32>} : memref<16x100xi32, #tpu.memory_space<vmem>>, vector<16xi32>,
      %gather3A_239 = tpu.vector_load_idx %arg5[%add3A_204, %get3A_235] : memref<16x2048xf32, #tpu.memory_space<vmem>>[vector<16xi32>, vector<16xi32>], vector<16xf32>,
      %gather3A_240 = tpu.vector_load_idx %arg5[%add3A_204, %get3A_238] : memref<16x2048xf32, #tpu.memory_space<vmem>>[vector<16xi32>, vector<16xi32>], vector<16xf32>,
      %add3A_241 = arith.constant 1.000000e+00 : f32
      %add3A_242 = vector.broadcast %add3A_241 : f32 to vector<16xf32>
      %add3A_243 = arith.addf %add3A_242, %gather3A_240 : vector<16xf32>
      %sub3A_244 = arith.subf %add3A_243, %gather3A_239 : vector<16xf32>
      %max3A_245 = arith.constant 0.000000e+00 : f32
      %max3A_246 = vector.broadcast %max3A_245 : f32 to vector<16xf32>
      %max3A_247 = arith.maximumf %sub3A_244, %max3A_246 : vector<16xf32>
      %add3A_248 = arith.addf %add3A_232, %max3A_247 : vector<16xf32>
      %get3A_249 = arith.index_cast %scan3A_199 : i32 to index
      %get3A_250 = arith.constant 34 : index
      %get3A_251 = tpu.vector_load %arg8[%get3A_249, %get3A_250] {strides = array<i32>} : memref<16x100xi32, #tpu.memory_space<vmem>>, vector<16xi32>,
      %get3A_252 = arith.index_cast %scan3A_199 : i32 to index
      %get3A_253 = arith.constant 84 : index
      %get3A_254 = tpu.vector_load %arg8[%get3A_252, %get3A_253] {strides = array<i32>} : memref<16x100xi32, #tpu.memory_space<vmem>>, vector<16xi32>,
      %gather3A_255 = tpu.vector_load_idx %arg5[%add3A_204, %get3A_251] : memref<16x2048xf32, #tpu.memory_space<vmem>>[vector<16xi32>, vector<16xi32>], vector<16xf32>,
      %gather3A_256 = tpu.vector_load_idx %arg5[%add3A_204, %get3A_254] : memref<16x2048xf32, #tpu.memory_space<vmem>>[vector<16xi32>, vector<16xi32>], vector<16xf32>,
      %add3A_257 = arith.constant 1.000000e+00 : f32
      %add3A_258 = vector.broadcast %add3A_257 : f32 to vector<16xf32>
      %add3A_259 = arith.addf %add3A_258, %gather3A_256 : vector<16xf32>
      %sub3A_260 = arith.subf %add3A_259, %gather3A_255 : vector<16xf32>
      %max3A_261 = arith.constant 0.000000e+00 : f32
      %max3A_262 = vector.broadcast %max3A_261 : f32 to vector<16xf32>
      %max3A_263 = arith.maximumf %sub3A_260, %max3A_262 : vector<16xf32>
      %select_n3A = arith.select %ge3A_4, %max3A_263, %broadcast_in_dim3A_5 : vector<16xi1>, vector<16xf32>
      %add3A_264 = arith.addf %add3A_248, %select_n3A : vector<16xf32>
      scf.yield %add3A_264 : vector<16xf32>
    }
    %scan3A_118 = arith.constant 16 : i32
    %dma_wait3A_119 = arith.constant 0 : i32
    %dma_wait3A_120 = tpu.memref_slice %arg2[%add3A_80, %dma_wait3A_119] : memref<4096x2048xf32, #tpu.memory_space<hbm>> -> memref<16x2048xf32, #tpu.memory_space<hbm>>
    %dma_wait3A_121 = arith.constant 0 : i32
    %dma_wait3A_122 = tpu.memref_slice %arg2[%add3A_80, %dma_wait3A_121] : memref<4096x2048xf32, #tpu.memory_space<hbm>> -> memref<16x2048xf32, #tpu.memory_space<hbm>>
    tpu.wait_dma2 semaphore(%arg13 : memref<!tpu.dma_semaphore, #tpu.memory_space<semaphore_mem>>) src(%dma_wait3A_122 : memref<16x2048xf32, #tpu.memory_space<hbm>>) dst(%arg6 : memref<16x2048xf32, #tpu.memory_space<vmem>>)
    %dma_wait3A_123 = arith.constant 0 : i32
    %dma_wait3A_124 = tpu.memref_slice %arg3[%add3A_80, %dma_wait3A_123] : memref<4096x100xi32, #tpu.memory_space<hbm>> -> memref<16x100xi32, #tpu.memory_space<hbm>>
    %dma_wait3A_125 = arith.constant 0 : i32
    %dma_wait3A_126 = tpu.memref_slice %arg3[%add3A_80, %dma_wait3A_125] : memref<4096x100xi32, #tpu.memory_space<hbm>> -> memref<16x100xi32, #tpu.memory_space<hbm>>
    tpu.wait_dma2 semaphore(%arg13 : memref<!tpu.dma_semaphore, #tpu.memory_space<semaphore_mem>>) src(%dma_wait3A_126 : memref<16x100xi32, #tpu.memory_space<hbm>>) dst(%arg9 : memref<16x100xi32, #tpu.memory_space<vmem>>)
    %add3A_127 = arith.constant 96 : i32
    %add3A_128 = arith.addi %mul3A_2, %add3A_127 : i32
    %dma_start3A_129 = arith.constant 0 : i32
    %dma_start3A_130 = tpu.memref_slice %arg2[%add3A_128, %dma_start3A_129] : memref<4096x2048xf32, #tpu.memory_space<hbm>> -> memref<16x2048xf32, #tpu.memory_space<hbm>>
    %dma_start3A_131 = arith.constant 0 : i32
    %dma_start3A_132 = tpu.memref_slice %arg2[%add3A_128, %dma_start3A_131] : memref<4096x2048xf32, #tpu.memory_space<hbm>> -> memref<16x2048xf32, #tpu.memory_space<hbm>>
    tpu.enqueue_dma source(%dma_start3A_132 : memref<16x2048xf32, #tpu.memory_space<hbm>>) target(%arg5 : memref<16x2048xf32, #tpu.memory_space<vmem>>) target_semaphore(%arg12 : memref<!tpu.dma_semaphore, #tpu.memory_space<semaphore_mem>>)
    %dma_start3A_133 = arith.constant 0 : i32
    %dma_start3A_134 = tpu.memref_slice %arg3[%add3A_128, %dma_start3A_133] : memref<4096x100xi32, #tpu.memory_space<hbm>> -> memref<16x100xi32, #tpu.memory_space<hbm>>
    %dma_start3A_135 = arith.constant 0 : i32
    %dma_start3A_136 = tpu.memref_slice %arg3[%add3A_128, %dma_start3A_135] : memref<4096x100xi32, #tpu.memory_space<hbm>> -> memref<16x100xi32, #tpu.memory_space<hbm>>
    tpu.enqueue_dma source(%dma_start3A_136 : memref<16x100xi32, #tpu.memory_space<hbm>>) target(%arg8 : memref<16x100xi32, #tpu.memory_space<vmem>>) target_semaphore(%arg12 : memref<!tpu.dma_semaphore, #tpu.memory_space<semaphore_mem>>)
    %scan3A_137 = arith.constant 0 : i32
    %scan3A_138 = arith.constant 16 : i32
    %scan3A_139 = arith.addi %scan3A_137, %scan3A_138 : i32
    %scan3A_140 = arith.constant 1 : i32
    %scan3A_141 = scf.for %scan3A_199 = %scan3A_137 to %scan3A_139 step %scan3A_140 iter_args(%scan3A_200 = %scan3A_117) -> (vector<16xf32>)  : i32 {
      %broadcast_in_dim3A_201 = arith.constant 0 : i32
      %broadcast_in_dim3A_202 = vector.broadcast %broadcast_in_dim3A_201 : i32 to vector<16xi32>
      %add3A_203 = vector.broadcast %scan3A_199 : i32 to vector<16xi32>
      %add3A_204 = arith.addi %broadcast_in_dim3A_202, %add3A_203 : vector<16xi32>
      %get3A = arith.index_cast %scan3A_199 : i32 to index
      %get3A_205 = arith.constant 0 : index
      %get3A_206 = tpu.vector_load %arg9[%get3A, %get3A_205] {strides = array<i32>} : memref<16x100xi32, #tpu.memory_space<vmem>>, vector<16xi32>,
      %get3A_207 = arith.index_cast %scan3A_199 : i32 to index
      %get3A_208 = arith.constant 50 : index
      %get3A_209 = tpu.vector_load %arg9[%get3A_207, %get3A_208] {strides = array<i32>} : memref<16x100xi32, #tpu.memory_space<vmem>>, vector<16xi32>,
      %gather3A = tpu.vector_load_idx %arg6[%add3A_204, %get3A_206] : memref<16x2048xf32, #tpu.memory_space<vmem>>[vector<16xi32>, vector<16xi32>], vector<16xf32>,
      %gather3A_210 = tpu.vector_load_idx %arg6[%add3A_204, %get3A_209] : memref<16x2048xf32, #tpu.memory_space<vmem>>[vector<16xi32>, vector<16xi32>], vector<16xf32>,
      %add3A_211 = arith.constant 1.000000e+00 : f32
      %add3A_212 = vector.broadcast %add3A_211 : f32 to vector<16xf32>
      %add3A_213 = arith.addf %add3A_212, %gather3A_210 : vector<16xf32>
      %sub3A = arith.subf %add3A_213, %gather3A : vector<16xf32>
      %max3A = arith.constant 0.000000e+00 : f32
      %max3A_214 = vector.broadcast %max3A : f32 to vector<16xf32>
      %max3A_215 = arith.maximumf %sub3A, %max3A_214 : vector<16xf32>
      %add3A_216 = arith.addf %scan3A_200, %max3A_215 : vector<16xf32>
      %get3A_217 = arith.index_cast %scan3A_199 : i32 to index
      %get3A_218 = arith.constant 16 : index
      %get3A_219 = tpu.vector_load %arg9[%get3A_217, %get3A_218] {strides = array<i32>} : memref<16x100xi32, #tpu.memory_space<vmem>>, vector<16xi32>,
      %get3A_220 = arith.index_cast %scan3A_199 : i32 to index
      %get3A_221 = arith.constant 66 : index
      %get3A_222 = tpu.vector_load %arg9[%get3A_220, %get3A_221] {strides = array<i32>} : memref<16x100xi32, #tpu.memory_space<vmem>>, vector<16xi32>,
      %gather3A_223 = tpu.vector_load_idx %arg6[%add3A_204, %get3A_219] : memref<16x2048xf32, #tpu.memory_space<vmem>>[vector<16xi32>, vector<16xi32>], vector<16xf32>,
      %gather3A_224 = tpu.vector_load_idx %arg6[%add3A_204, %get3A_222] : memref<16x2048xf32, #tpu.memory_space<vmem>>[vector<16xi32>, vector<16xi32>], vector<16xf32>,
      %add3A_225 = arith.constant 1.000000e+00 : f32
      %add3A_226 = vector.broadcast %add3A_225 : f32 to vector<16xf32>
      %add3A_227 = arith.addf %add3A_226, %gather3A_224 : vector<16xf32>
      %sub3A_228 = arith.subf %add3A_227, %gather3A_223 : vector<16xf32>
      %max3A_229 = arith.constant 0.000000e+00 : f32
      %max3A_230 = vector.broadcast %max3A_229 : f32 to vector<16xf32>
      %max3A_231 = arith.maximumf %sub3A_228, %max3A_230 : vector<16xf32>
      %add3A_232 = arith.addf %add3A_216, %max3A_231 : vector<16xf32>
      %get3A_233 = arith.index_cast %scan3A_199 : i32 to index
      %get3A_234 = arith.constant 32 : index
      %get3A_235 = tpu.vector_load %arg9[%get3A_233, %get3A_234] {strides = array<i32>} : memref<16x100xi32, #tpu.memory_space<vmem>>, vector<16xi32>,
      %get3A_236 = arith.index_cast %scan3A_199 : i32 to index
      %get3A_237 = arith.constant 82 : index
      %get3A_238 = tpu.vector_load %arg9[%get3A_236, %get3A_237] {strides = array<i32>} : memref<16x100xi32, #tpu.memory_space<vmem>>, vector<16xi32>,
      %gather3A_239 = tpu.vector_load_idx %arg6[%add3A_204, %get3A_235] : memref<16x2048xf32, #tpu.memory_space<vmem>>[vector<16xi32>, vector<16xi32>], vector<16xf32>,
      %gather3A_240 = tpu.vector_load_idx %arg6[%add3A_204, %get3A_238] : memref<16x2048xf32, #tpu.memory_space<vmem>>[vector<16xi32>, vector<16xi32>], vector<16xf32>,
      %add3A_241 = arith.constant 1.000000e+00 : f32
      %add3A_242 = vector.broadcast %add3A_241 : f32 to vector<16xf32>
      %add3A_243 = arith.addf %add3A_242, %gather3A_240 : vector<16xf32>
      %sub3A_244 = arith.subf %add3A_243, %gather3A_239 : vector<16xf32>
      %max3A_245 = arith.constant 0.000000e+00 : f32
      %max3A_246 = vector.broadcast %max3A_245 : f32 to vector<16xf32>
      %max3A_247 = arith.maximumf %sub3A_244, %max3A_246 : vector<16xf32>
      %add3A_248 = arith.addf %add3A_232, %max3A_247 : vector<16xf32>
      %get3A_249 = arith.index_cast %scan3A_199 : i32 to index
      %get3A_250 = arith.constant 34 : index
      %get3A_251 = tpu.vector_load %arg9[%get3A_249, %get3A_250] {strides = array<i32>} : memref<16x100xi32, #tpu.memory_space<vmem>>, vector<16xi32>,
      %get3A_252 = arith.index_cast %scan3A_199 : i32 to index
      %get3A_253 = arith.constant 84 : index
      %get3A_254 = tpu.vector_load %arg9[%get3A_252, %get3A_253] {strides = array<i32>} : memref<16x100xi32, #tpu.memory_space<vmem>>, vector<16xi32>,
      %gather3A_255 = tpu.vector_load_idx %arg6[%add3A_204, %get3A_251] : memref<16x2048xf32, #tpu.memory_space<vmem>>[vector<16xi32>, vector<16xi32>], vector<16xf32>,
      %gather3A_256 = tpu.vector_load_idx %arg6[%add3A_204, %get3A_254] : memref<16x2048xf32, #tpu.memory_space<vmem>>[vector<16xi32>, vector<16xi32>], vector<16xf32>,
      %add3A_257 = arith.constant 1.000000e+00 : f32
      %add3A_258 = vector.broadcast %add3A_257 : f32 to vector<16xf32>
      %add3A_259 = arith.addf %add3A_258, %gather3A_256 : vector<16xf32>
      %sub3A_260 = arith.subf %add3A_259, %gather3A_255 : vector<16xf32>
      %max3A_261 = arith.constant 0.000000e+00 : f32
      %max3A_262 = vector.broadcast %max3A_261 : f32 to vector<16xf32>
      %max3A_263 = arith.maximumf %sub3A_260, %max3A_262 : vector<16xf32>
      %select_n3A = arith.select %ge3A_4, %max3A_263, %broadcast_in_dim3A_5 : vector<16xi1>, vector<16xf32>
      %add3A_264 = arith.addf %add3A_248, %select_n3A : vector<16xf32>
      scf.yield %add3A_264 : vector<16xf32>
    }
    %scan3A_142 = arith.constant 16 : i32
    %dma_wait3A_143 = arith.constant 0 : i32
    %dma_wait3A_144 = tpu.memref_slice %arg2[%add3A_104, %dma_wait3A_143] : memref<4096x2048xf32, #tpu.memory_space<hbm>> -> memref<16x2048xf32, #tpu.memory_space<hbm>>
    %dma_wait3A_145 = arith.constant 0 : i32
    %dma_wait3A_146 = tpu.memref_slice %arg2[%add3A_104, %dma_wait3A_145] : memref<4096x2048xf32, #tpu.memory_space<hbm>> -> memref<16x2048xf32, #tpu.memory_space<hbm>>
    tpu.wait_dma2 semaphore(%arg14 : memref<!tpu.dma_semaphore, #tpu.memory_space<semaphore_mem>>) src(%dma_wait3A_146 : memref<16x2048xf32, #tpu.memory_space<hbm>>) dst(%arg7 : memref<16x2048xf32, #tpu.memory_space<vmem>>)
    %dma_wait3A_147 = arith.constant 0 : i32
    %dma_wait3A_148 = tpu.memref_slice %arg3[%add3A_104, %dma_wait3A_147] : memref<4096x100xi32, #tpu.memory_space<hbm>> -> memref<16x100xi32, #tpu.memory_space<hbm>>
    %dma_wait3A_149 = arith.constant 0 : i32
    %dma_wait3A_150 = tpu.memref_slice %arg3[%add3A_104, %dma_wait3A_149] : memref<4096x100xi32, #tpu.memory_space<hbm>> -> memref<16x100xi32, #tpu.memory_space<hbm>>
    tpu.wait_dma2 semaphore(%arg14 : memref<!tpu.dma_semaphore, #tpu.memory_space<semaphore_mem>>) src(%dma_wait3A_150 : memref<16x100xi32, #tpu.memory_space<hbm>>) dst(%arg10 : memref<16x100xi32, #tpu.memory_space<vmem>>)
    %add3A_151 = arith.constant 112 : i32
    %add3A_152 = arith.addi %mul3A_2, %add3A_151 : i32
    %dma_start3A_153 = arith.constant 0 : i32
    %dma_start3A_154 = tpu.memref_slice %arg2[%add3A_152, %dma_start3A_153] : memref<4096x2048xf32, #tpu.memory_space<hbm>> -> memref<16x2048xf32, #tpu.memory_space<hbm>>
    %dma_start3A_155 = arith.constant 0 : i32
    %dma_start3A_156 = tpu.memref_slice %arg2[%add3A_152, %dma_start3A_155] : memref<4096x2048xf32, #tpu.memory_space<hbm>> -> memref<16x2048xf32, #tpu.memory_space<hbm>>
    tpu.enqueue_dma source(%dma_start3A_156 : memref<16x2048xf32, #tpu.memory_space<hbm>>) target(%arg6 : memref<16x2048xf32, #tpu.memory_space<vmem>>) target_semaphore(%arg13 : memref<!tpu.dma_semaphore, #tpu.memory_space<semaphore_mem>>)
    %dma_start3A_157 = arith.constant 0 : i32
    %dma_start3A_158 = tpu.memref_slice %arg3[%add3A_152, %dma_start3A_157] : memref<4096x100xi32, #tpu.memory_space<hbm>> -> memref<16x100xi32, #tpu.memory_space<hbm>>
    %dma_start3A_159 = arith.constant 0 : i32
    %dma_start3A_160 = tpu.memref_slice %arg3[%add3A_152, %dma_start3A_159] : memref<4096x100xi32, #tpu.memory_space<hbm>> -> memref<16x100xi32, #tpu.memory_space<hbm>>
    tpu.enqueue_dma source(%dma_start3A_160 : memref<16x100xi32, #tpu.memory_space<hbm>>) target(%arg9 : memref<16x100xi32, #tpu.memory_space<vmem>>) target_semaphore(%arg13 : memref<!tpu.dma_semaphore, #tpu.memory_space<semaphore_mem>>)
    %scan3A_161 = arith.constant 0 : i32
    %scan3A_162 = arith.constant 16 : i32
    %scan3A_163 = arith.addi %scan3A_161, %scan3A_162 : i32
    %scan3A_164 = arith.constant 1 : i32
    %scan3A_165 = scf.for %scan3A_199 = %scan3A_161 to %scan3A_163 step %scan3A_164 iter_args(%scan3A_200 = %scan3A_141) -> (vector<16xf32>)  : i32 {
      %broadcast_in_dim3A_201 = arith.constant 0 : i32
      %broadcast_in_dim3A_202 = vector.broadcast %broadcast_in_dim3A_201 : i32 to vector<16xi32>
      %add3A_203 = vector.broadcast %scan3A_199 : i32 to vector<16xi32>
      %add3A_204 = arith.addi %broadcast_in_dim3A_202, %add3A_203 : vector<16xi32>
      %get3A = arith.index_cast %scan3A_199 : i32 to index
      %get3A_205 = arith.constant 0 : index
      %get3A_206 = tpu.vector_load %arg10[%get3A, %get3A_205] {strides = array<i32>} : memref<16x100xi32, #tpu.memory_space<vmem>>, vector<16xi32>,
      %get3A_207 = arith.index_cast %scan3A_199 : i32 to index
      %get3A_208 = arith.constant 50 : index
      %get3A_209 = tpu.vector_load %arg10[%get3A_207, %get3A_208] {strides = array<i32>} : memref<16x100xi32, #tpu.memory_space<vmem>>, vector<16xi32>,
      %gather3A = tpu.vector_load_idx %arg7[%add3A_204, %get3A_206] : memref<16x2048xf32, #tpu.memory_space<vmem>>[vector<16xi32>, vector<16xi32>], vector<16xf32>,
      %gather3A_210 = tpu.vector_load_idx %arg7[%add3A_204, %get3A_209] : memref<16x2048xf32, #tpu.memory_space<vmem>>[vector<16xi32>, vector<16xi32>], vector<16xf32>,
      %add3A_211 = arith.constant 1.000000e+00 : f32
      %add3A_212 = vector.broadcast %add3A_211 : f32 to vector<16xf32>
      %add3A_213 = arith.addf %add3A_212, %gather3A_210 : vector<16xf32>
      %sub3A = arith.subf %add3A_213, %gather3A : vector<16xf32>
      %max3A = arith.constant 0.000000e+00 : f32
      %max3A_214 = vector.broadcast %max3A : f32 to vector<16xf32>
      %max3A_215 = arith.maximumf %sub3A, %max3A_214 : vector<16xf32>
      %add3A_216 = arith.addf %scan3A_200, %max3A_215 : vector<16xf32>
      %get3A_217 = arith.index_cast %scan3A_199 : i32 to index
      %get3A_218 = arith.constant 16 : index
      %get3A_219 = tpu.vector_load %arg10[%get3A_217, %get3A_218] {strides = array<i32>} : memref<16x100xi32, #tpu.memory_space<vmem>>, vector<16xi32>,
      %get3A_220 = arith.index_cast %scan3A_199 : i32 to index
      %get3A_221 = arith.constant 66 : index
      %get3A_222 = tpu.vector_load %arg10[%get3A_220, %get3A_221] {strides = array<i32>} : memref<16x100xi32, #tpu.memory_space<vmem>>, vector<16xi32>,
      %gather3A_223 = tpu.vector_load_idx %arg7[%add3A_204, %get3A_219] : memref<16x2048xf32, #tpu.memory_space<vmem>>[vector<16xi32>, vector<16xi32>], vector<16xf32>,
      %gather3A_224 = tpu.vector_load_idx %arg7[%add3A_204, %get3A_222] : memref<16x2048xf32, #tpu.memory_space<vmem>>[vector<16xi32>, vector<16xi32>], vector<16xf32>,
      %add3A_225 = arith.constant 1.000000e+00 : f32
      %add3A_226 = vector.broadcast %add3A_225 : f32 to vector<16xf32>
      %add3A_227 = arith.addf %add3A_226, %gather3A_224 : vector<16xf32>
      %sub3A_228 = arith.subf %add3A_227, %gather3A_223 : vector<16xf32>
      %max3A_229 = arith.constant 0.000000e+00 : f32
      %max3A_230 = vector.broadcast %max3A_229 : f32 to vector<16xf32>
      %max3A_231 = arith.maximumf %sub3A_228, %max3A_230 : vector<16xf32>
      %add3A_232 = arith.addf %add3A_216, %max3A_231 : vector<16xf32>
      %get3A_233 = arith.index_cast %scan3A_199 : i32 to index
      %get3A_234 = arith.constant 32 : index
      %get3A_235 = tpu.vector_load %arg10[%get3A_233, %get3A_234] {strides = array<i32>} : memref<16x100xi32, #tpu.memory_space<vmem>>, vector<16xi32>,
      %get3A_236 = arith.index_cast %scan3A_199 : i32 to index
      %get3A_237 = arith.constant 82 : index
      %get3A_238 = tpu.vector_load %arg10[%get3A_236, %get3A_237] {strides = array<i32>} : memref<16x100xi32, #tpu.memory_space<vmem>>, vector<16xi32>,
      %gather3A_239 = tpu.vector_load_idx %arg7[%add3A_204, %get3A_235] : memref<16x2048xf32, #tpu.memory_space<vmem>>[vector<16xi32>, vector<16xi32>], vector<16xf32>,
      %gather3A_240 = tpu.vector_load_idx %arg7[%add3A_204, %get3A_238] : memref<16x2048xf32, #tpu.memory_space<vmem>>[vector<16xi32>, vector<16xi32>], vector<16xf32>,
      %add3A_241 = arith.constant 1.000000e+00 : f32
      %add3A_242 = vector.broadcast %add3A_241 : f32 to vector<16xf32>
      %add3A_243 = arith.addf %add3A_242, %gather3A_240 : vector<16xf32>
      %sub3A_244 = arith.subf %add3A_243, %gather3A_239 : vector<16xf32>
      %max3A_245 = arith.constant 0.000000e+00 : f32
      %max3A_246 = vector.broadcast %max3A_245 : f32 to vector<16xf32>
      %max3A_247 = arith.maximumf %sub3A_244, %max3A_246 : vector<16xf32>
      %add3A_248 = arith.addf %add3A_232, %max3A_247 : vector<16xf32>
      %get3A_249 = arith.index_cast %scan3A_199 : i32 to index
      %get3A_250 = arith.constant 34 : index
      %get3A_251 = tpu.vector_load %arg10[%get3A_249, %get3A_250] {strides = array<i32>} : memref<16x100xi32, #tpu.memory_space<vmem>>, vector<16xi32>,
      %get3A_252 = arith.index_cast %scan3A_199 : i32 to index
      %get3A_253 = arith.constant 84 : index
      %get3A_254 = tpu.vector_load %arg10[%get3A_252, %get3A_253] {strides = array<i32>} : memref<16x100xi32, #tpu.memory_space<vmem>>, vector<16xi32>,
      %gather3A_255 = tpu.vector_load_idx %arg7[%add3A_204, %get3A_251] : memref<16x2048xf32, #tpu.memory_space<vmem>>[vector<16xi32>, vector<16xi32>], vector<16xf32>,
      %gather3A_256 = tpu.vector_load_idx %arg7[%add3A_204, %get3A_254] : memref<16x2048xf32, #tpu.memory_space<vmem>>[vector<16xi32>, vector<16xi32>], vector<16xf32>,
      %add3A_257 = arith.constant 1.000000e+00 : f32
      %add3A_258 = vector.broadcast %add3A_257 : f32 to vector<16xf32>
      %add3A_259 = arith.addf %add3A_258, %gather3A_256 : vector<16xf32>
      %sub3A_260 = arith.subf %add3A_259, %gather3A_255 : vector<16xf32>
      %max3A_261 = arith.constant 0.000000e+00 : f32
      %max3A_262 = vector.broadcast %max3A_261 : f32 to vector<16xf32>
      %max3A_263 = arith.maximumf %sub3A_260, %max3A_262 : vector<16xf32>
      %select_n3A = arith.select %ge3A_4, %max3A_263, %broadcast_in_dim3A_5 : vector<16xi1>, vector<16xf32>
      %add3A_264 = arith.addf %add3A_248, %select_n3A : vector<16xf32>
      scf.yield %add3A_264 : vector<16xf32>
    }
    %scan3A_166 = arith.constant 16 : i32
    %dma_wait3A_167 = arith.constant 0 : i32
    %dma_wait3A_168 = tpu.memref_slice %arg2[%add3A_128, %dma_wait3A_167] : memref<4096x2048xf32, #tpu.memory_space<hbm>> -> memref<16x2048xf32, #tpu.memory_space<hbm>>
    %dma_wait3A_169 = arith.constant 0 : i32
    %dma_wait3A_170 = tpu.memref_slice %arg2[%add3A_128, %dma_wait3A_169] : memref<4096x2048xf32, #tpu.memory_space<hbm>> -> memref<16x2048xf32, #tpu.memory_space<hbm>>
    tpu.wait_dma2 semaphore(%arg12 : memref<!tpu.dma_semaphore, #tpu.memory_space<semaphore_mem>>) src(%dma_wait3A_170 : memref<16x2048xf32, #tpu.memory_space<hbm>>) dst(%arg5 : memref<16x2048xf32, #tpu.memory_space<vmem>>)
    %dma_wait3A_171 = arith.constant 0 : i32
    %dma_wait3A_172 = tpu.memref_slice %arg3[%add3A_128, %dma_wait3A_171] : memref<4096x100xi32, #tpu.memory_space<hbm>> -> memref<16x100xi32, #tpu.memory_space<hbm>>
    %dma_wait3A_173 = arith.constant 0 : i32
    %dma_wait3A_174 = tpu.memref_slice %arg3[%add3A_128, %dma_wait3A_173] : memref<4096x100xi32, #tpu.memory_space<hbm>> -> memref<16x100xi32, #tpu.memory_space<hbm>>
    tpu.wait_dma2 semaphore(%arg12 : memref<!tpu.dma_semaphore, #tpu.memory_space<semaphore_mem>>) src(%dma_wait3A_174 : memref<16x100xi32, #tpu.memory_space<hbm>>) dst(%arg8 : memref<16x100xi32, #tpu.memory_space<vmem>>)
    %scan3A_175 = arith.constant 0 : i32
    %scan3A_176 = arith.constant 16 : i32
    %scan3A_177 = arith.addi %scan3A_175, %scan3A_176 : i32
    %scan3A_178 = arith.constant 1 : i32
    %scan3A_179 = scf.for %scan3A_199 = %scan3A_175 to %scan3A_177 step %scan3A_178 iter_args(%scan3A_200 = %scan3A_165) -> (vector<16xf32>)  : i32 {
      %broadcast_in_dim3A_201 = arith.constant 0 : i32
      %broadcast_in_dim3A_202 = vector.broadcast %broadcast_in_dim3A_201 : i32 to vector<16xi32>
      %add3A_203 = vector.broadcast %scan3A_199 : i32 to vector<16xi32>
      %add3A_204 = arith.addi %broadcast_in_dim3A_202, %add3A_203 : vector<16xi32>
      %get3A = arith.index_cast %scan3A_199 : i32 to index
      %get3A_205 = arith.constant 0 : index
      %get3A_206 = tpu.vector_load %arg8[%get3A, %get3A_205] {strides = array<i32>} : memref<16x100xi32, #tpu.memory_space<vmem>>, vector<16xi32>,
      %get3A_207 = arith.index_cast %scan3A_199 : i32 to index
      %get3A_208 = arith.constant 50 : index
      %get3A_209 = tpu.vector_load %arg8[%get3A_207, %get3A_208] {strides = array<i32>} : memref<16x100xi32, #tpu.memory_space<vmem>>, vector<16xi32>,
      %gather3A = tpu.vector_load_idx %arg5[%add3A_204, %get3A_206] : memref<16x2048xf32, #tpu.memory_space<vmem>>[vector<16xi32>, vector<16xi32>], vector<16xf32>,
      %gather3A_210 = tpu.vector_load_idx %arg5[%add3A_204, %get3A_209] : memref<16x2048xf32, #tpu.memory_space<vmem>>[vector<16xi32>, vector<16xi32>], vector<16xf32>,
      %add3A_211 = arith.constant 1.000000e+00 : f32
      %add3A_212 = vector.broadcast %add3A_211 : f32 to vector<16xf32>
      %add3A_213 = arith.addf %add3A_212, %gather3A_210 : vector<16xf32>
      %sub3A = arith.subf %add3A_213, %gather3A : vector<16xf32>
      %max3A = arith.constant 0.000000e+00 : f32
      %max3A_214 = vector.broadcast %max3A : f32 to vector<16xf32>
      %max3A_215 = arith.maximumf %sub3A, %max3A_214 : vector<16xf32>
      %add3A_216 = arith.addf %scan3A_200, %max3A_215 : vector<16xf32>
      %get3A_217 = arith.index_cast %scan3A_199 : i32 to index
      %get3A_218 = arith.constant 16 : index
      %get3A_219 = tpu.vector_load %arg8[%get3A_217, %get3A_218] {strides = array<i32>} : memref<16x100xi32, #tpu.memory_space<vmem>>, vector<16xi32>,
      %get3A_220 = arith.index_cast %scan3A_199 : i32 to index
      %get3A_221 = arith.constant 66 : index
      %get3A_222 = tpu.vector_load %arg8[%get3A_220, %get3A_221] {strides = array<i32>} : memref<16x100xi32, #tpu.memory_space<vmem>>, vector<16xi32>,
      %gather3A_223 = tpu.vector_load_idx %arg5[%add3A_204, %get3A_219] : memref<16x2048xf32, #tpu.memory_space<vmem>>[vector<16xi32>, vector<16xi32>], vector<16xf32>,
      %gather3A_224 = tpu.vector_load_idx %arg5[%add3A_204, %get3A_222] : memref<16x2048xf32, #tpu.memory_space<vmem>>[vector<16xi32>, vector<16xi32>], vector<16xf32>,
      %add3A_225 = arith.constant 1.000000e+00 : f32
      %add3A_226 = vector.broadcast %add3A_225 : f32 to vector<16xf32>
      %add3A_227 = arith.addf %add3A_226, %gather3A_224 : vector<16xf32>
      %sub3A_228 = arith.subf %add3A_227, %gather3A_223 : vector<16xf32>
      %max3A_229 = arith.constant 0.000000e+00 : f32
      %max3A_230 = vector.broadcast %max3A_229 : f32 to vector<16xf32>
      %max3A_231 = arith.maximumf %sub3A_228, %max3A_230 : vector<16xf32>
      %add3A_232 = arith.addf %add3A_216, %max3A_231 : vector<16xf32>
      %get3A_233 = arith.index_cast %scan3A_199 : i32 to index
      %get3A_234 = arith.constant 32 : index
      %get3A_235 = tpu.vector_load %arg8[%get3A_233, %get3A_234] {strides = array<i32>} : memref<16x100xi32, #tpu.memory_space<vmem>>, vector<16xi32>,
      %get3A_236 = arith.index_cast %scan3A_199 : i32 to index
      %get3A_237 = arith.constant 82 : index
      %get3A_238 = tpu.vector_load %arg8[%get3A_236, %get3A_237] {strides = array<i32>} : memref<16x100xi32, #tpu.memory_space<vmem>>, vector<16xi32>,
      %gather3A_239 = tpu.vector_load_idx %arg5[%add3A_204, %get3A_235] : memref<16x2048xf32, #tpu.memory_space<vmem>>[vector<16xi32>, vector<16xi32>], vector<16xf32>,
      %gather3A_240 = tpu.vector_load_idx %arg5[%add3A_204, %get3A_238] : memref<16x2048xf32, #tpu.memory_space<vmem>>[vector<16xi32>, vector<16xi32>], vector<16xf32>,
      %add3A_241 = arith.constant 1.000000e+00 : f32
      %add3A_242 = vector.broadcast %add3A_241 : f32 to vector<16xf32>
      %add3A_243 = arith.addf %add3A_242, %gather3A_240 : vector<16xf32>
      %sub3A_244 = arith.subf %add3A_243, %gather3A_239 : vector<16xf32>
      %max3A_245 = arith.constant 0.000000e+00 : f32
      %max3A_246 = vector.broadcast %max3A_245 : f32 to vector<16xf32>
      %max3A_247 = arith.maximumf %sub3A_244, %max3A_246 : vector<16xf32>
      %add3A_248 = arith.addf %add3A_232, %max3A_247 : vector<16xf32>
      %get3A_249 = arith.index_cast %scan3A_199 : i32 to index
      %get3A_250 = arith.constant 34 : index
      %get3A_251 = tpu.vector_load %arg8[%get3A_249, %get3A_250] {strides = array<i32>} : memref<16x100xi32, #tpu.memory_space<vmem>>, vector<16xi32>,
      %get3A_252 = arith.index_cast %scan3A_199 : i32 to index
      %get3A_253 = arith.constant 84 : index
      %get3A_254 = tpu.vector_load %arg8[%get3A_252, %get3A_253] {strides = array<i32>} : memref<16x100xi32, #tpu.memory_space<vmem>>, vector<16xi32>,
      %gather3A_255 = tpu.vector_load_idx %arg5[%add3A_204, %get3A_251] : memref<16x2048xf32, #tpu.memory_space<vmem>>[vector<16xi32>, vector<16xi32>], vector<16xf32>,
      %gather3A_256 = tpu.vector_load_idx %arg5[%add3A_204, %get3A_254] : memref<16x2048xf32, #tpu.memory_space<vmem>>[vector<16xi32>, vector<16xi32>], vector<16xf32>,
      %add3A_257 = arith.constant 1.000000e+00 : f32
      %add3A_258 = vector.broadcast %add3A_257 : f32 to vector<16xf32>
      %add3A_259 = arith.addf %add3A_258, %gather3A_256 : vector<16xf32>
      %sub3A_260 = arith.subf %add3A_259, %gather3A_255 : vector<16xf32>
      %max3A_261 = arith.constant 0.000000e+00 : f32
      %max3A_262 = vector.broadcast %max3A_261 : f32 to vector<16xf32>
      %max3A_263 = arith.maximumf %sub3A_260, %max3A_262 : vector<16xf32>
      %select_n3A = arith.select %ge3A_4, %max3A_263, %broadcast_in_dim3A_5 : vector<16xi1>, vector<16xf32>
      %add3A_264 = arith.addf %add3A_248, %select_n3A : vector<16xf32>
      scf.yield %add3A_264 : vector<16xf32>
    }
    %scan3A_180 = arith.constant 16 : i32
    %dma_wait3A_181 = arith.constant 0 : i32
    %dma_wait3A_182 = tpu.memref_slice %arg2[%add3A_152, %dma_wait3A_181] : memref<4096x2048xf32, #tpu.memory_space<hbm>> -> memref<16x2048xf32, #tpu.memory_space<hbm>>
    %dma_wait3A_183 = arith.constant 0 : i32
    %dma_wait3A_184 = tpu.memref_slice %arg2[%add3A_152, %dma_wait3A_183] : memref<4096x2048xf32, #tpu.memory_space<hbm>> -> memref<16x2048xf32, #tpu.memory_space<hbm>>
    tpu.wait_dma2 semaphore(%arg13 : memref<!tpu.dma_semaphore, #tpu.memory_space<semaphore_mem>>) src(%dma_wait3A_184 : memref<16x2048xf32, #tpu.memory_space<hbm>>) dst(%arg6 : memref<16x2048xf32, #tpu.memory_space<vmem>>)
    %dma_wait3A_185 = arith.constant 0 : i32
    %dma_wait3A_186 = tpu.memref_slice %arg3[%add3A_152, %dma_wait3A_185] : memref<4096x100xi32, #tpu.memory_space<hbm>> -> memref<16x100xi32, #tpu.memory_space<hbm>>
    %dma_wait3A_187 = arith.constant 0 : i32
    %dma_wait3A_188 = tpu.memref_slice %arg3[%add3A_152, %dma_wait3A_187] : memref<4096x100xi32, #tpu.memory_space<hbm>> -> memref<16x100xi32, #tpu.memory_space<hbm>>
    tpu.wait_dma2 semaphore(%arg13 : memref<!tpu.dma_semaphore, #tpu.memory_space<semaphore_mem>>) src(%dma_wait3A_188 : memref<16x100xi32, #tpu.memory_space<hbm>>) dst(%arg9 : memref<16x100xi32, #tpu.memory_space<vmem>>)
    %scan3A_189 = arith.constant 0 : i32
    %scan3A_190 = arith.constant 16 : i32
    %scan3A_191 = arith.addi %scan3A_189, %scan3A_190 : i32
    %scan3A_192 = arith.constant 1 : i32
    %scan3A_193 = scf.for %scan3A_199 = %scan3A_189 to %scan3A_191 step %scan3A_192 iter_args(%scan3A_200 = %scan3A_179) -> (vector<16xf32>)  : i32 {
      %broadcast_in_dim3A_201 = arith.constant 0 : i32
      %broadcast_in_dim3A_202 = vector.broadcast %broadcast_in_dim3A_201 : i32 to vector<16xi32>
      %add3A_203 = vector.broadcast %scan3A_199 : i32 to vector<16xi32>
      %add3A_204 = arith.addi %broadcast_in_dim3A_202, %add3A_203 : vector<16xi32>
      %get3A = arith.index_cast %scan3A_199 : i32 to index
      %get3A_205 = arith.constant 0 : index
      %get3A_206 = tpu.vector_load %arg9[%get3A, %get3A_205] {strides = array<i32>} : memref<16x100xi32, #tpu.memory_space<vmem>>, vector<16xi32>,
      %get3A_207 = arith.index_cast %scan3A_199 : i32 to index
      %get3A_208 = arith.constant 50 : index
      %get3A_209 = tpu.vector_load %arg9[%get3A_207, %get3A_208] {strides = array<i32>} : memref<16x100xi32, #tpu.memory_space<vmem>>, vector<16xi32>,
      %gather3A = tpu.vector_load_idx %arg6[%add3A_204, %get3A_206] : memref<16x2048xf32, #tpu.memory_space<vmem>>[vector<16xi32>, vector<16xi32>], vector<16xf32>,
      %gather3A_210 = tpu.vector_load_idx %arg6[%add3A_204, %get3A_209] : memref<16x2048xf32, #tpu.memory_space<vmem>>[vector<16xi32>, vector<16xi32>], vector<16xf32>,
      %add3A_211 = arith.constant 1.000000e+00 : f32
      %add3A_212 = vector.broadcast %add3A_211 : f32 to vector<16xf32>
      %add3A_213 = arith.addf %add3A_212, %gather3A_210 : vector<16xf32>
      %sub3A = arith.subf %add3A_213, %gather3A : vector<16xf32>
      %max3A = arith.constant 0.000000e+00 : f32
      %max3A_214 = vector.broadcast %max3A : f32 to vector<16xf32>
      %max3A_215 = arith.maximumf %sub3A, %max3A_214 : vector<16xf32>
      %add3A_216 = arith.addf %scan3A_200, %max3A_215 : vector<16xf32>
      %get3A_217 = arith.index_cast %scan3A_199 : i32 to index
      %get3A_218 = arith.constant 16 : index
      %get3A_219 = tpu.vector_load %arg9[%get3A_217, %get3A_218] {strides = array<i32>} : memref<16x100xi32, #tpu.memory_space<vmem>>, vector<16xi32>,
      %get3A_220 = arith.index_cast %scan3A_199 : i32 to index
      %get3A_221 = arith.constant 66 : index
      %get3A_222 = tpu.vector_load %arg9[%get3A_220, %get3A_221] {strides = array<i32>} : memref<16x100xi32, #tpu.memory_space<vmem>>, vector<16xi32>,
      %gather3A_223 = tpu.vector_load_idx %arg6[%add3A_204, %get3A_219] : memref<16x2048xf32, #tpu.memory_space<vmem>>[vector<16xi32>, vector<16xi32>], vector<16xf32>,
      %gather3A_224 = tpu.vector_load_idx %arg6[%add3A_204, %get3A_222] : memref<16x2048xf32, #tpu.memory_space<vmem>>[vector<16xi32>, vector<16xi32>], vector<16xf32>,
      %add3A_225 = arith.constant 1.000000e+00 : f32
      %add3A_226 = vector.broadcast %add3A_225 : f32 to vector<16xf32>
      %add3A_227 = arith.addf %add3A_226, %gather3A_224 : vector<16xf32>
      %sub3A_228 = arith.subf %add3A_227, %gather3A_223 : vector<16xf32>
      %max3A_229 = arith.constant 0.000000e+00 : f32
      %max3A_230 = vector.broadcast %max3A_229 : f32 to vector<16xf32>
      %max3A_231 = arith.maximumf %sub3A_228, %max3A_230 : vector<16xf32>
      %add3A_232 = arith.addf %add3A_216, %max3A_231 : vector<16xf32>
      %get3A_233 = arith.index_cast %scan3A_199 : i32 to index
      %get3A_234 = arith.constant 32 : index
      %get3A_235 = tpu.vector_load %arg9[%get3A_233, %get3A_234] {strides = array<i32>} : memref<16x100xi32, #tpu.memory_space<vmem>>, vector<16xi32>,
      %get3A_236 = arith.index_cast %scan3A_199 : i32 to index
      %get3A_237 = arith.constant 82 : index
      %get3A_238 = tpu.vector_load %arg9[%get3A_236, %get3A_237] {strides = array<i32>} : memref<16x100xi32, #tpu.memory_space<vmem>>, vector<16xi32>,
      %gather3A_239 = tpu.vector_load_idx %arg6[%add3A_204, %get3A_235] : memref<16x2048xf32, #tpu.memory_space<vmem>>[vector<16xi32>, vector<16xi32>], vector<16xf32>,
      %gather3A_240 = tpu.vector_load_idx %arg6[%add3A_204, %get3A_238] : memref<16x2048xf32, #tpu.memory_space<vmem>>[vector<16xi32>, vector<16xi32>], vector<16xf32>,
      %add3A_241 = arith.constant 1.000000e+00 : f32
      %add3A_242 = vector.broadcast %add3A_241 : f32 to vector<16xf32>
      %add3A_243 = arith.addf %add3A_242, %gather3A_240 : vector<16xf32>
      %sub3A_244 = arith.subf %add3A_243, %gather3A_239 : vector<16xf32>
      %max3A_245 = arith.constant 0.000000e+00 : f32
      %max3A_246 = vector.broadcast %max3A_245 : f32 to vector<16xf32>
      %max3A_247 = arith.maximumf %sub3A_244, %max3A_246 : vector<16xf32>
      %add3A_248 = arith.addf %add3A_232, %max3A_247 : vector<16xf32>
      %get3A_249 = arith.index_cast %scan3A_199 : i32 to index
      %get3A_250 = arith.constant 34 : index
      %get3A_251 = tpu.vector_load %arg9[%get3A_249, %get3A_250] {strides = array<i32>} : memref<16x100xi32, #tpu.memory_space<vmem>>, vector<16xi32>,
      %get3A_252 = arith.index_cast %scan3A_199 : i32 to index
      %get3A_253 = arith.constant 84 : index
      %get3A_254 = tpu.vector_load %arg9[%get3A_252, %get3A_253] {strides = array<i32>} : memref<16x100xi32, #tpu.memory_space<vmem>>, vector<16xi32>,
      %gather3A_255 = tpu.vector_load_idx %arg6[%add3A_204, %get3A_251] : memref<16x2048xf32, #tpu.memory_space<vmem>>[vector<16xi32>, vector<16xi32>], vector<16xf32>,
      %gather3A_256 = tpu.vector_load_idx %arg6[%add3A_204, %get3A_254] : memref<16x2048xf32, #tpu.memory_space<vmem>>[vector<16xi32>, vector<16xi32>], vector<16xf32>,
      %add3A_257 = arith.constant 1.000000e+00 : f32
      %add3A_258 = vector.broadcast %add3A_257 : f32 to vector<16xf32>
      %add3A_259 = arith.addf %add3A_258, %gather3A_256 : vector<16xf32>
      %sub3A_260 = arith.subf %add3A_259, %gather3A_255 : vector<16xf32>
      %max3A_261 = arith.constant 0.000000e+00 : f32
      %max3A_262 = vector.broadcast %max3A_261 : f32 to vector<16xf32>
      %max3A_263 = arith.maximumf %sub3A_260, %max3A_262 : vector<16xf32>
      %select_n3A = arith.select %ge3A_4, %max3A_263, %broadcast_in_dim3A_5 : vector<16xi1>, vector<16xf32>
      %add3A_264 = arith.addf %add3A_248, %select_n3A : vector<16xf32>
      scf.yield %add3A_264 : vector<16xf32>
    }
    %scan3A_194 = arith.constant 16 : i32
    %mul3A_195 = arith.constant 4.88281239E-6 : f32
    %mul3A_196 = vector.broadcast %mul3A_195 : f32 to vector<16xf32>
    %mul3A_197 = arith.mulf %scan3A_193, %mul3A_196 : vector<16xf32>
    %swap3A = arith.constant 0 : index
    %swap3A_198 = tpu.vector_load %arg11[%swap3A] {strides = array<i32>} : memref<16xf32, #tpu.memory_space<vmem>>, vector<16xf32>,
    tpu.vector_store %arg11[%swap3A], %mul3A_197 {strides = array<i32>} : memref<16xf32, #tpu.memory_space<vmem>>, vector<16xf32>,
    "tpu.region"() ({
      %run_scoped3A = tpu.sem_alloc : memref<!tpu.dma_semaphore, #tpu.memory_space<semaphore_mem>>
      %dma_start3A_199 = arith.constant 0 : i32
      %dma_start3A_200 = tpu.memref_slice %arg4[%add3A, %dma_start3A_199] : memref<32x16xf32, #tpu.memory_space<hbm>> -> memref<1x16xf32, #tpu.memory_space<hbm>>
      %dma_start3A_201 = tpu.memref_squeeze %dma_start3A_200 : memref<1x16xf32, #tpu.memory_space<hbm>> -> memref<16xf32, #tpu.memory_space<hbm>>
      %dma_start3A_202 = arith.constant 0 : i32
      %dma_start3A_203 = tpu.memref_slice %arg4[%add3A, %dma_start3A_202] : memref<32x16xf32, #tpu.memory_space<hbm>> -> memref<1x16xf32, #tpu.memory_space<hbm>>
      %dma_start3A_204 = tpu.memref_squeeze %dma_start3A_203 : memref<1x16xf32, #tpu.memory_space<hbm>> -> memref<16xf32, #tpu.memory_space<hbm>>
      tpu.enqueue_dma source(%arg11 : memref<16xf32, #tpu.memory_space<vmem>>) target(%dma_start3A_204 : memref<16xf32, #tpu.memory_space<hbm>>) target_semaphore(%run_scoped3A : memref<!tpu.dma_semaphore, #tpu.memory_space<semaphore_mem>>)
      %dma_wait3A_205 = arith.constant 0 : i32
      %dma_wait3A_206 = tpu.memref_slice %arg4[%add3A, %dma_wait3A_205] : memref<32x16xf32, #tpu.memory_space<hbm>> -> memref<1x16xf32, #tpu.memory_space<hbm>>
      %dma_wait3A_207 = tpu.memref_squeeze %dma_wait3A_206 : memref<1x16xf32, #tpu.memory_space<hbm>> -> memref<16xf32, #tpu.memory_space<hbm>>
      %dma_wait3A_208 = arith.constant 0 : i32
      %dma_wait3A_209 = tpu.memref_slice %arg4[%add3A, %dma_wait3A_208] : memref<32x16xf32, #tpu.memory_space<hbm>> -> memref<1x16xf32, #tpu.memory_space<hbm>>
      %dma_wait3A_210 = tpu.memref_squeeze %dma_wait3A_209 : memref<1x16xf32, #tpu.memory_space<hbm>> -> memref<16xf32, #tpu.memory_space<hbm>>
      tpu.wait_dma2 semaphore(%run_scoped3A : memref<!tpu.dma_semaphore, #tpu.memory_space<semaphore_mem>>) src(%arg11 : memref<16xf32, #tpu.memory_space<vmem>>) dst(%dma_wait3A_210 : memref<16xf32, #tpu.memory_space<hbm>>)
      tpu.yield
    }) : () -> ()
    return
  }
}

</mosaic_0001>

<sc_bundles>
// kernel: kernel.3.cloned.1.call-start
scs
__scs_entry_jumppad:
0x0: {  	(pc) =	sbr.rel $0x88, $3  }
0x1: {  	(tag) =	ssettag $0x0;
	lr =	simm.s32 $0x1  }
0x2: {  	[smem:$0x3F9E] =	sst lr;
	_ =	strace $0xD0000000  }
0x3: {  	_ = 	snop  }
0x4: {  	_ = 	snop  }
0x5: {  	_ = 	snop  }
0x6: {  	_ = 	snop  }
0x7: {  	_ = 	snop  }
__scs_overlays_trampoline_lowered:
0x8: {  	[smem:$0x3FAD] =	sst s0  }
0x9: {  	[smem:$0x3FAE] =	sst s1  }
0xa: {  	[smem:$0x3FAF] =	sst s2  }
0xb: {  	[smem:$0x3FB0] =	sst s3  }
0xc: {  	[smem:$0x3FB1] =	sst s4  }
0xd: {  	[smem:$0x3FB2] =	sst s5  }
0xe: {  	[smem:$0x3FB3] =	sst s6  }
0xf: {  	[smem:$0x3FB4] =	sst s7  }
0x10: {  	[smem:$0x3FB5] =	sst s8  }
0x11: {  	[smem:$0x3FB6] =	sst s9;
	s0 =	simm.s32 @!p0 $0x0  }
0x12: {  	s1 =	sld [smem:$0x3F9C];
	s0 =	simm.s32 @p0 $0x1  }
0x13: {  	[smem:$0x3FB7] =	sst s0;
	s0 =	simm.s32 @!p1 $0x0  }
0x14: {  	s2 =	sld [smem:$0x3F9B];
	s0 =	simm.s32 @p1 $0x1  }
0x15: {  	[smem:$0x3FB8] =	sst s0;
	s0 =	simm.s32 @!p2 $0x0  }
0x16: {  	s3 =	sld [smem:$0x3FDB];
	s0 =	simm.s32 @p2 $0x1  }
0x17: {  	s4 =	simm.s32 $0x1BF5;
	[smem:$0x3FBA] =	sst s0  }
0x18: {  	s0 =	sld [smem:$0x3F9D];
	_ =	swait.ge [sflag:s4], $0x0  }
0x19: {  	s7 =	sld [smem:$0x3F9E]  }
0x1a: {  	s8 =	sadd.s32 $0xFFFFE003, lr  }
0x1b: {  	s9 =	sadd.s32 $0xFFFFFEF7, lr;
	s5 =	simm.s32 $0xFFFFFFFF;
	p2 =	slt.u32 s8, $0xFFFFF086  }
0x1c: {  	p1 =	slt.u32 s9, $0xF7A;
	s5 =	simm.s32 @!p2 $0x0  }
0x1d: {  	s5 =	simm.s32 @p1 $0x1;
	p0 =	seq.s32 s7, s2  }
0x1e: {  	s7 =	smul.u32 @!p0 $0xF7A, s2;
	p2 =	seq.s32 @!p0 s5, $0x0  }
0x1f: {  	s9 =	smul.u32 $0xF7A, s1;
	s8 =	simm.s32 @!p0 $0x1BF5;
	p2 =	por !p2, p0  }
0x20: {  	[sflag:s8] =	ssyncset.s32 @!p0 $0xFFFFF086;
	s6 =	sadd.s32 @!p0 s3, s7;
	s7 =	simm.s32 @!p0 $0x108  }
0x21: {  	s3 =	sadd.s32 s3, s9;
	s6 =	sadd.s32 @!p0 $0x88, s6;
	s7 =	simm.s32 @p2 $0x1082  }
0x22: {  	[simem:s7], [sflag:s8] =	dma.local @!p0 [hbm:s6], $0xF7A  }
0x23: {  	s9 =	sor.u32 $0xD0000000, s2;
	s6 =	simm.s32 $0x108;
	_ =	swait.ge @!p0 [sflag:s8], $0x0  }
0x24: {  	s3 =	sadd.s32 $0x88, s3;
	s6 =	simm.s32 @!p1 $0x1082;
	[sflag:s4] =	ssyncset.s32 $0xFFFFF086  }
0x25: {  	[simem:s6], [sflag:s4] =	dma.local [hbm:s3], $0xF7A  }
0x26: {  	[smem:$0x3F9E] =	sst s1;
	(tag) =	ssettag s2;
	_ =	strace s9  }
0x27: {  	s1 =	sld [smem:$0x3FAE]  }
0x28: {  	s2 =	sld [smem:$0x3FAF]  }
0x29: {  	s4 =	sld [smem:$0x3FB1]  }
0x2a: {  	p0 =	seq.s32 s5, $0x0;
	s5 =	sld [smem:$0x3FB2]  }
0x2b: {  	s6 =	sld [smem:$0x3FB3]  }
0x2c: {  	s7 =	sld [smem:$0x3FB4]  }
0x2d: {  	s3 =	simm.s32 $0x108;
	s8 =	sld [smem:$0x3FB5]  }
0x2e: {  	s3 =	simm.s32 @!p0 $0x1082;
	s9 =	sld [smem:$0x3FB6]  }
0x2f: {  	lr =	sadd.s32 s0, s3;
	s0 =	sld [smem:$0x3FAD]  }
0x30: {  	s3 =	sld [smem:$0x3FB0]  }
0x31: {  	[smem:$0x3FB9] =	sst s10  }
0x32: {  	s10 =	sld [smem:$0x3FB7];
	_ =	sdelay $0x3  }
0x33: {  	p0 =	seq.s32 s10, $0x1;
	s10 =	sld [smem:$0x3FB9];
	_ =	sdelay $0x3  }
0x34: {  	[smem:$0x3FB9] =	sst s10  }
0x35: {  	s10 =	sld [smem:$0x3FB8];
	_ =	sdelay $0x3  }
0x36: {  	p1 =	seq.s32 s10, $0x1;
	s10 =	sld [smem:$0x3FB9];
	_ =	sdelay $0x3  }
0x37: {  	[smem:$0x3FB9] =	sst s10  }
0x38: {  	s10 =	sld [smem:$0x3FBA]  }
0x39: {  	_ = 	snop;
	(pc) =	sbr.ind lr, $3  }
0x3a: {  	_ = 	snop  }
0x3b: {  	_ = 	snop  }
0x3c: {  	p2 =	seq.s32 s10, $0x1;
	s10 =	sld [smem:$0x3FB9]  }
0x3d: {  	_ =	shalt  }
0x3e: {  	_ =	shalt  }
0x3f: {  	_ =	shalt  }
0x40: {  	_ =	shalt  }
0x41: {  	_ =	shalt  }
0x42: {  	_ =	shalt  }
0x43: {  	_ =	shalt  }
0x44: {  	_ =	shalt  }
0x45: {  	_ =	shalt  }
0x46: {  	_ =	shalt  }
0x47: {  	_ =	shalt  }
0x48: {  	_ =	shalt  }
0x49: {  	_ =	shalt  }
0x4a: {  	_ =	shalt  }
0x4b: {  	_ =	shalt  }
0x4c: {  	_ =	shalt  }
0x4d: {  	_ =	shalt  }
0x4e: {  	_ =	shalt  }
0x4f: {  	_ =	shalt  }
0x50: {  	_ =	shalt  }
0x51: {  	_ =	shalt  }
0x52: {  	_ =	shalt  }
0x53: {  	_ =	shalt  }
0x54: {  	_ =	shalt  }
0x55: {  	_ =	shalt  }
0x56: {  	_ =	shalt  }
0x57: {  	_ =	shalt  }
0x58: {  	_ =	shalt  }
0x59: {  	_ =	shalt  }
0x5a: {  	_ =	shalt  }
0x5b: {  	_ =	shalt  }
0x5c: {  	_ =	shalt  }
0x5d: {  	_ =	shalt  }
0x5e: {  	_ =	shalt  }
0x5f: {  	_ =	shalt  }
0x60: {  	_ =	shalt  }
0x61: {  	_ =	shalt  }
0x62: {  	_ =	shalt  }
0x63: {  	_ =	shalt  }
0x64: {  	_ =	shalt  }
0x65: {  	_ =	shalt  }
0x66: {  	_ =	shalt  }
0x67: {  	_ =	shalt  }
0x68: {  	_ =	shalt  }
0x69: {  	_ =	shalt  }
0x6a: {  	_ =	shalt  }
0x6b: {  	_ =	shalt  }
0x6c: {  	_ =	shalt  }
0x6d: {  	_ =	shalt  }
0x6e: {  	_ =	shalt  }
0x6f: {  	_ =	shalt  }
0x70: {  	_ =	shalt  }
0x71: {  	_ =	shalt  }
0x72: {  	_ =	shalt  }
0x73: {  	_ =	shalt  }
0x74: {  	_ =	shalt  }
0x75: {  	_ =	shalt  }
0x76: {  	_ =	shalt  }
0x77: {  	_ =	shalt  }
0x78: {  	_ =	shalt  }
0x79: {  	_ =	shalt  }
0x7a: {  	_ =	shalt  }
0x7b: {  	_ =	shalt  }
0x7c: {  	_ =	shalt  }
0x7d: {  	_ =	shalt  }
0x7e: {  	_ =	shalt  }
0x7f: {  	_ =	shalt  }
0x80: {  	_ =	shalt  }
0x81: {  	_ =	shalt  }
0x82: {  	_ =	shalt  }
0x83: {  	_ =	shalt  }
0x84: {  	_ =	shalt  }
0x85: {  	_ =	shalt  }
0x86: {  	_ =	shalt  }
0x87: {  	_ =	shalt  }
.Lfunc_end0:
.L_simem_size_0:
called_computation_lowered:
.L_overlay_start_0:
0x88: {  	s2 =	sld [smem:$0x3FD9]  }
0x89: {  	s3 =	sld [smem:$0x3FFE];
	_ =	sdelay $0x1  }
0x8a: {  	s1 =	srdreg.scid  }
0x8b: {  	s0 =	sand.u32 $0x1, s1  }
0x8c: {  	s17 =	sshll.u32 s0, $0xA;
	s2 =	sadd.s32 s3, s2  }
0x8d: {  	s2 =	sadd.s32 s2, s17  }
0x8e: {  	[smem:$0x3FC5] =	sst s2  }
0x8f: {  	_ = 	snop  }
0x90: {  	s2 =	sld [smem:$0x3FC9];
	(tm) =	ssettm $0x1  }
0x91: {  	s18 =	sld [smem:$0x3FFB];
	_ =	sdelay $0x3  }
0x92: {  	_ =	strace s18  }
0x93: {  	s3 =	sld [smem:$0x3FFC];
	_ =	sdelay $0x3  }
0x94: {  	_ =	strace s3  }
0x95: {  	s3 =	sld [smem:$0x3FFD];
	_ =	sdelay $0x3  }
0x96: {  	_ =	strace s3  }
0x97: {  	_ =	strace $0x8FFFFFFF  }
0x98: {  	s19 =	sld [smem:$0x3FDB];
	_ =	sdelay $0x1  }
0x99: {  	s4 =	simm.s32 $_scs_section_size  }
0x9a: {  	s5 =	simm.s32 $_size__tile_overlayer_lowered;
	s6 =	simm.s32 $_tile_overlayer_lowered  }
0x9b: {  	s22 =	simm.s32 $0x1BFF;
	s21 =	sshll.u32 s6, $0x1;
	s3 =	sadd.s32 s4, s19  }
0x9c: {  	s7 =	simm.s32 $0x0;
	s20 =	sshll.u32 s5, $0x1;
	s5 =	sadd.s32 s21, s3  }
0x9d: {  	[timem:s7], [sflag:s22] =	dma.local [hbm:s5], s20  }
0x9e: {  	_ =	swait.ge [sflag:s22], s20  }
0x9f: {  	s4 =	ssub.s32 $0x0, s20;
	[sflag:s22] =	ssyncset.done $0x0  }
0xa0: {  	[sflag:s22] =	ssyncadd.s32 s4;
	_ =	sdelay $0x1  }
0xa1: {  	s23 =	simm.s32 $0x1B8B  }
0xa2: {  	_ =	swait.ge [sflag:s23], $0x1  }
0xa3: {  	[sflag:s23] =	ssyncset.done $0x0  }
0xa4: {  	s25 =	simm.s32 $0x1B8E;
	s24 =	sld [smem:$0x3FFE];
	[sflag:s23] =	ssyncadd.s32 $0xFFFFFFFF  }
0xa5: {  	s26 =	simm.s32 $execute0_lowered;
	[smem:$0x3FD2] =	sst s25  }
0xa6: {  	s5 =	sshll.u32 s26, $0x1;
	_ =	strace $0x80000046;
	[dreg:$0x1] =	wrdreg $0xFFFFFFFF  }
0xa7: {  	s28 =	simm.s32 $_size_execute0_lowered;
	s3 =	sadd.s32 s3, s5;
	[dreg:$0x0] =	wrdreg $0x0  }
0xa8: {  	s5 =	sshll.u32 s28, $0x1;
	[dreg:$0x2] =	wrdreg s3  }
0xa9: {  	[dreg:$0x3] =	wrdreg s5  }
0xaa: {  	[dreg:$0x4] =	wrdreg $0xC0  }
0xab: {  	_ =	task [dreg:s7], $0x5FFFF  }
0xac: {  	[dreg:$0x1] =	wrdreg $0xFFFFFFFF  }
0xad: {  	[dreg:$0x0] =	wrdreg $0x60  }
0xae: {  	[dreg:$0x2] =	wrdreg s2  }
0xaf: {  	[dreg:$0x3] =	wrdreg s24  }
0xb0: {  	[dreg:$0x4] =	wrdreg $0x9  }
0xb1: {  	_ =	task.clear_ibuf [dreg:s7], $0x5FFFF;
	_ =	strace $0x90000046  }
0xb2: {  	s29 =	simm.s32 $0x9;
	_ =	strace $0x80000048  }
0xb3: {  	_ =	swait.ge [sflag:s29], $0x1  }
0xb4: {  	[sflag:s29] =	ssyncadd.s32 $0xFFFFFFFF  }
0xb5: {  	_ =	strace $0x90000048  }
0xb6: {  	_ =	sfence  }
0xb7: {  	s30 =	sld [smem:$0x0];
	_ =	sdelay $0x2  }
0xb8: {  	s31 =	sshll.u32 s1, $0xD;
	s1 =	sshrl.u32 s1, $0x2  }
0xb9: {  	s3 =	sand.u32 $0x4000, s31;
	s1 =	sadd.s32 s1, s30  }
0xba: {  	s0 =	sor.u32 s3, s0;
	s1 =	sshll.u32 s1, $0x11  }
0xbb: {  	s0 =	sor.u32 s1, s0  }
0xbc: {  	s0 =	sadd.s32 $0x8F2B, s0  }
0xbd: {  	[sflag:s0] =	ssyncadd.remote.s32 $0x1  }
0xbe: {  	_ =	sfence.sel $0xFFFF  }
0xbf: {  	[dreg:$0x0] =	wrdreg $0xFFFFFFFF;
	(pc) =	sbr.abs _section_cstart, $3  }
0xc0: {  	[dreg:$0x1] =	wrdreg $0xFFFFFFFF  }
0xc1: {  	_ =	task.clear_ibuf [dreg:s7], $0x2FFFF;
	_ =	strace $0x9FFFFFFF  }
0xc2: {  	(tm) =	ssettm $0x7FFFFFFF  }
0xc3: {  	_ =	shalt  }
tec
execute0_lowered:
.L_overlay_start_1:
0x0: {  	(tag) =	ssettag $0x1  }
0x1: {  	s0 =	rddreg [dreg:$0x0]  }
0x2: {  	s1 =	rddreg [dreg:$0x1];
	s2 =	simm.s32 $0x0;
	s3 =	srdreg.scid  }
0x3: {  	s4 =	stileid.u32;
	s28 =	simm.s32 $0x2;
	s29 =	simm.s32 $0x3  }
0x4: {  	s31 =	simm.s32 $0x4;
	s3 =	sand.u32 $0x1, s3;
	s4 =	sshll.u32 s4, $0x1  }
0x5: {  	[smem:$0x7FF] =	sst s2;
	s18 =	sadd.s32 $0x200, s1;
	s4 =	sor.u32 s3, s4  }
0x6: {  	_ =	strace $0x80000047;
	s3 =	ssub.s32 $0x2, s3;
	s16 =	sshll.u32 s4, $0x4  }
0x7: {  	s5 =	sshrl.u32 s3, $0x1;
	s21 =	sshll.u32 s4, $0xF;
	s4 =	sshll.u32 s4, $0xB  }
0x8: {  	s1 =	sadd.s32 s16, s1;
	s20 =	ssub.s32 s3, s5;
	s3 =	sadd.s32 s0, s21  }
0x9: {  	s22 =	sor.u32 $0x2, s16;
	s4 =	sadd.s32 s18, s4;
	s23 =	sor.u32 $0x4, s16  }
0xa: {  	s10 =	sor.u32 $0x6, s16;
	s11 =	sor.u32 $0x8, s16;
	s25 =	sor.u32 $0xA, s16  }
0xb: {  	s17 =	sor.u32 $0xC, s16;
	s19 =	sor.u32 $0xE, s16;
	s21 =	simm.s32 $0x18000  }
0xc: {  	s6 =	sshll.u32 s22, $0xB;
	s7 =	sshll.u32 s22, $0x7;
	s8 =	sshll.u32 s23, $0xB  }
0xd: {  	s9 =	sshll.u32 s23, $0x7;
	s24 =	sshll.u32 s10, $0xB;
	s10 =	sshll.u32 s10, $0x7  }
0xe: {  	s12 =	sshll.u32 s11, $0xB;
	s13 =	sshll.u32 s11, $0x7;
	s14 =	sshll.u32 s25, $0xB  }
0xf: {  	s15 =	sshll.u32 s25, $0x7;
	s26 =	sshll.u32 s17, $0xB;
	s17 =	sshll.u32 s17, $0x7  }
0x10: {  	s30 =	sshll.u32 s19, $0xB;
	s19 =	sshll.u32 s19, $0x7;
	s20 =	smax.u32 s20, $0x1  }
0x11: {  	s22 =	simm.s32 $0x8000;
	s23 =	simm.s32 $0x18800;
	s25 =	simm.s32 $0x10000  }
0x12: {  	s5 =	sadd.s32 s0, s6;
	s6 =	sadd.s32 s18, s7;
	s7 =	sadd.s32 s0, s8  }
0x13: {  	s8 =	sadd.s32 s18, s9;
	s9 =	sadd.s32 s0, s24;
	s10 =	sadd.s32 s18, s10  }
0x14: {  	s11 =	sadd.s32 s0, s12;
	s12 =	sadd.s32 s18, s13;
	s13 =	sadd.s32 s0, s14  }
0x15: {  	s14 =	sadd.s32 s18, s15;
	s15 =	sadd.s32 s0, s26;
	s16 =	sadd.s32 s18, s17  }
0x16: {  	s17 =	sadd.s32 s0, s30;
	s18 =	sadd.s32 s18, s19;
	s19 =	sadd.s32 $0x10200, s1  }
0x17: {  	vm0 =	vmmov $0x3fff;
	s24 =	simm.s32 $0x1;
	s26 =	simm.s32 $0x19000;
	s0 =	simm.s32 $0x0  }
.LBB2_1:
0x18: {  	[tilespmem:s2], [sflag:$0x1] =	stream.linear.gather [hbm4b:s3+s2], $0x8000, $0x38;
	[tilespmem:$0x19880] =	vst v63  }
0x19: {  	_ = 	snop  }
0x1a: {  	[tilespmem:s21], [sflag:$0x1] =	stream.linear.gather [hbm4b:s4+s2], $0x800, $0x38;
	[tilespmem:$0x19880] =	vst v63  }
0x1b: {  	_ = 	snop  }
0x1c: {  	[tilespmem:s22], [sflag:$0x2] =	stream.linear.gather [hbm4b:s5+s2], $0x8000, $0x38;
	[tilespmem:$0x19880] =	vst v63  }
0x1d: {  	_ = 	snop  }
0x1e: {  	[tilespmem:s23], [sflag:$0x2] =	stream.linear.gather [hbm4b:s6+s2], $0x800, $0x38;
	[tilespmem:$0x19880] =	vst v63  }
0x1f: {  	_ =	swait.ge [sflag:s24], $0x8000  }
0x20: {  	[sflag:s24] =	ssyncset.done $0x0  }
0x21: {  	[sflag:s24] =	ssyncadd.s32 $0xFFFF8000  }
0x22: {  	_ =	swait.ge [sflag:s24], $0x800  }
0x23: {  	[sflag:s24] =	ssyncset.done $0x0  }
0x24: {  	[sflag:s24] =	ssyncadd.s32 $0xFFFFF800  }
0x25: {  	[tilespmem:s25], [sflag:$0x3] =	stream.linear.gather [hbm4b:s7+s2], $0x8000, $0x38;
	[tilespmem:$0x19880] =	vst v63  }
0x26: {  	s1 =	simm.s32 $0x18032  }
0x27: {  	[tilespmem:s26], [sflag:$0x3] =	stream.linear.gather [hbm4b:s8+s2], $0x800, $0x38;
	[tilespmem:$0x19880] =	vst v63  }
0x28: {  	v1 =	vld [tilespmem:s1+$0xFFFFFFF0]  }
0x29: {  	v2 =	vld [tilespmem:s1+$0xFFFFFFEE]  }
0x2a: {  	v3 =	vld [tilespmem:s1+$0x22]  }
0x2b: {  	v4 =	vld [tilespmem:s1+$0xFFFFFFDE]  }
0x2c: {  	v5 =	vld [tilespmem:s1+$0x20]  }
0x2d: {  	v6 =	vld [tilespmem:s1+$0xFFFFFFCE]  }
0x2e: {  	v8 =	vmov s2;
	v7 =	vld [tilespmem:s1+$0x10]  }
0x2f: {  	v0 =	vimm.f32 $0.0e+00;
	v10 =	vshll.u32 v8, $0x7;
	v8 =	vshll.u32 v8, $0xB;
	v9 =	vld [tilespmem:s1+$0x0]  }
0x30: {  	v10 =	vand.u32 $0x380, v10;
	v11 =	vand.u32 $0x4000, v8;
	v12 =	vand.u32 $0x7F, v2  }
0x31: {  	v13 =	vand.u32 $0x7F, v1;
	v8 =	vand.u32 $0x7F, v4;
	v1 =	vshll.u32 v1, $0x3  }
0x32: {  	v14 =	vand.u32 $0x7F, v3;
	v2 =	vshll.u32 v2, $0x3;
	v15 =	vand.u32 $0x7F, v5  }
0x33: {  	v16 =	vand.u32 $0x7F, v6;
	v4 =	vshll.u32 v4, $0x3;
	v3 =	vshll.u32 v3, $0x3  }
0x34: {  	v17 =	vand.u32 $0x7F, v7;
	v6 =	vshll.u32 v6, $0x3;
	v18 =	vand.u32 $0x7F, v9  }
0x35: {  	v5 =	vshll.u32 v5, $0x3;
	v7 =	vshll.u32 v7, $0x3;
	v9 =	vshll.u32 v9, $0x3  }
0x36: {  	s1 =	simm.s32 $0x180B2;
	v1 =	vand.u32 $0xFFFFFC00, v1;
	v2 =	vand.u32 $0xFFFFFC00, v2;
	v9 =	vand.u32 $0xFFFFFC00, v9  }
0x37: {  	v19 =	vld [tilespmem:s1+$0xFFFFFFF0];
	v3 =	vand.u32 $0xFFFFFC00, v3;
	v4 =	vand.u32 $0xFFFFFC00, v4;
	v9 =	vadd.s32 v11, v9  }
0x38: {  	v20 =	vld [tilespmem:s1+$0xFFFFFFEE];
	v6 =	vand.u32 $0xFFFFFC00, v6;
	v5 =	vand.u32 $0xFFFFFC00, v5;
	v9 =	vor.u32 v18, v9  }
0x39: {  	v22 =	vld [tilespmem:s1+$0x22];
	v7 =	vand.u32 $0xFFFFFC00, v7;
	v6 =	vadd.s32 v11, v6;
	v18 =	vor.u32 v10, v9  }
0x3a: {  	v24 =	vld [tilespmem:s1+$0x20];
	v7 =	vadd.s32 v11, v7;
	v4 =	vadd.s32 v11, v4;
	v6 =	vor.u32 v16, v6  }
0x3b: {  	v5 =	vadd.s32 v11, v5;
	v16 =	vld [tilespmem:s1+$0xFFFFFFDE];
	v7 =	vor.u32 v17, v7;
	v6 =	vor.u32 v10, v6  }
0x3c: {  	v3 =	vadd.s32 v11, v3;
	v17 =	vld [tilespmem:s1+$0xFFFFFFCE];
	v5 =	vor.u32 v15, v5;
	v7 =	vor.u32 v10, v7  }
0x3d: {  	v2 =	vadd.s32 v11, v2;
	v4 =	vor.u32 v8, v4;
	v8 =	vld [tilespmem:s1+$0x10];
	v5 =	vor.u32 v10, v5  }
0x3e: {  	v3 =	vor.u32 v14, v3;
	v2 =	vor.u32 v12, v2;
	v4 =	vor.u32 v10, v4;
	v12 =	vld.idx.msk [tilespmem:v18+s2+$0x0], $0xffff  }
0x3f: {  	s30 =	simm.s32 $0x1;
	v23 =	vshll.u32 v22, $0x3;
	v1 =	vadd.s32 v11, v1;
	v9 =	vld [tilespmem:s1+$0x0];
	v11 =	vor.u32 v10, v3  }
0x40: {  	v1 =	vor.u32 v13, v1;
	v3 =	vmov s30;
	v15 =	vor.u32 v10, v2;
	v14 =	vld.idx.msk [tilespmem:v6+s2+$0x0], $0xffff  }
0x41: {  	v26 =	vor.u32 v10, v1;
	v2 =	vshll.u32 v3, $0x7;
	v3 =	vshll.u32 v3, $0xB;
	v25 =	vld.idx.msk [tilespmem:v7+s2+$0x0], $0xffff  }
0x42: {  	v1 =	vand.u32 $0x380, v2;
	v3 =	vand.u32 $0x4000, v3;
	v2 =	vand.u32 $0x7F, v19;
	v28 =	vld.idx.msk [tilespmem:v5+s2+$0x0], $0xffff  }
0x43: {  	v13 =	vand.u32 $0x7F, v17;
	v21 =	vshll.u32 v16, $0x3;
	v27 =	vld.idx.msk [tilespmem:v4+s2+$0x0], $0xffff;
	v12 =	vadd.f32 $1.000000000e+00, v12  }
0x44: {  	v10 =	vand.u32 $0x7F, v8;
	v4 =	vand.u32 $0x7F, v20;
	v6 =	vand.u32 $0x7F, v16;
	v11 =	vld.idx.msk [tilespmem:v11+s2+$0x0], $0xffff  }
0x45: {  	v18 =	vshll.u32 v19, $0x3;
	v5 =	vand.u32 $0x7F, v22;
	v16 =	vsub.f32 v12, v14;
	v12 =	vld.idx.msk [tilespmem:v15+s2+$0x0], $0xffff  }
0x46: {  	v19 =	vshll.u32 v20, $0x3;
	v7 =	vand.u32 $0x7F, v24;
	v25 =	vadd.f32 $1.000000000e+00, v25;
	v14 =	vld.idx.msk [tilespmem:v26+s2+$0x0], $0xffff  }
0x47: {  	v22 =	vshll.u32 v17, $0x3;
	v24 =	vshll.u32 v24, $0x3;
	v17 =	vadd.f32 $1.000000000e+00, v28  }
0x48: {  	s30 =	simm.s32 $0x2;
	v15 =	vand.u32 $0x7F, v9;
	v20 =	vmax.f32 v16, $0.0e+00;
	v16 =	vsub.f32 v25, v27  }
.LBB2_2:
0x49: {  	p0 =	sne.s32 s30, $0xF;
	v8 =	vshll.u32 v8, $0x3;
	v0 =	vadd.f32 v20, v0;
	v11 =	vadd.f32 $1.000000000e+00, v11  }
0x4a: {  	v9 =	vshll.u32 v9, $0x3;
	v16 =	vmax.f32 v16, $0.0e+00;
	v12 =	vsub.f32 v17, v12  }
0x4b: {  	v17 =	vand.u32 $0xFFFFFC00, v18;
	v0 =	vadd.f32 v16, v0;
	v11 =	vsub.f32 v11, v14  }
0x4c: {  	v14 =	vand.u32 $0xFFFFFC00, v19;
	v16 =	vand.u32 $0xFFFFFC00, v23;
	v12 =	vmax.f32 v12, $0.0e+00  }
0x4d: {  	s1 =	sadd.s32 $0x80, s1;
	v18 =	vand.u32 $0xFFFFFC00, v21;
	v0 =	vadd.f32 v12, v0;
	v11 =	vmax.f32 v11, $0.0e+00  }
0x4e: {  	v9 =	vand.u32 $0xFFFFFC00, v9;
	v19 =	vand.u32 $0xFFFFFC00, v24;
	v12 =	vld [tilespmem:s1+$0xFFFFFFF0];
	v11 =	vsel vm0, $0x0, v11  }
0x4f: {  	v21 =	vand.u32 $0xFFFFFC00, v22;
	v9 =	vadd.s32 v3, v9;
	v20 =	vld [tilespmem:s1+$0xFFFFFFEE];
	v0 =	vadd.f32 v11, v0  }
0x50: {  	v8 =	vand.u32 $0xFFFFFC00, v8;
	v9 =	vor.u32 v15, v9;
	v11 =	vadd.s32 v3, v21;
	v22 =	vld [tilespmem:s1+$0x22]  }
0x51: {  	v8 =	vadd.s32 v3, v8;
	v11 =	vor.u32 v13, v11;
	v13 =	vor.u32 v1, v9;
	v15 =	vld [tilespmem:s1+$0xFFFFFFDE]  }
0x52: {  	v8 =	vor.u32 v10, v8;
	v9 =	vadd.s32 v3, v18;
	v11 =	vor.u32 v1, v11;
	v24 =	vld [tilespmem:s1+$0x20]  }
0x53: {  	v10 =	vor.u32 v1, v8;
	v6 =	vor.u32 v6, v9;
	v9 =	vadd.s32 v3, v19;
	v25 =	vld [tilespmem:s1+$0xFFFFFFCE]  }
0x54: {  	v16 =	vadd.s32 v3, v16;
	v6 =	vor.u32 v1, v6;
	v7 =	vor.u32 v7, v9;
	v8 =	vld [tilespmem:s1+$0x10]  }
0x55: {  	v14 =	vadd.s32 v3, v14;
	v5 =	vor.u32 v5, v16;
	v7 =	vor.u32 v1, v7;
	v9 =	vld [tilespmem:s1+$0x0]  }
0x56: {  	v4 =	vor.u32 v4, v14;
	v14 =	vor.u32 v1, v5;
	v3 =	vadd.s32 v3, v17;
	v13 =	vld.idx.msk [tilespmem:v13+s2+$0x0], $0xffff  }
0x57: {  	v5 =	vmov s30;
	v17 =	vor.u32 v1, v4;
	v2 =	vor.u32 v2, v3;
	v16 =	vld.idx.msk [tilespmem:v11+s2+$0x0], $0xffff  }
0x58: {  	v3 =	vshll.u32 v5, $0x7;
	v26 =	vld.idx.msk [tilespmem:v10+s2+$0x0], $0xffff;
	v10 =	vor.u32 v1, v2  }
0x59: {  	v2 =	vshll.u32 v5, $0xB;
	v1 =	vand.u32 $0x380, v3;
	v27 =	vld.idx.msk [tilespmem:v6+s2+$0x0], $0xffff  }
0x5a: {  	v4 =	vand.u32 $0x7F, v20;
	v3 =	vand.u32 $0x4000, v2;
	v2 =	vand.u32 $0x7F, v12;
	v28 =	vld.idx.msk [tilespmem:v7+s2+$0x0], $0xffff  }
0x5b: {  	v18 =	vshll.u32 v12, $0x3;
	v5 =	vand.u32 $0x7F, v22;
	v6 =	vand.u32 $0x7F, v15;
	v11 =	vld.idx.msk [tilespmem:v14+s2+$0x0], $0xffff  }
.Ltmp0:
0x5c: {  	v19 =	vshll.u32 v20, $0x3;
	v7 =	vand.u32 $0x7F, v24;
	v20 =	vadd.f32 $1.000000000e+00, v13;
	v12 =	vld.idx.msk [tilespmem:v17+s2+$0x0], $0xffff;
	(pc) =	sbr.rel @p0 .LBB2_2-.Ltmp0, $4  }
0x5d: {  	v23 =	vshll.u32 v22, $0x3;
	v21 =	vshll.u32 v15, $0x3;
	v13 =	vand.u32 $0x7F, v25;
	v14 =	vld.idx.msk [tilespmem:v10+s2+$0x0], $0xffff  }
0x5e: {  	v10 =	vand.u32 $0x7F, v8;
	v16 =	vsub.f32 v20, v16;
	v17 =	vadd.f32 $1.000000000e+00, v26  }
0x5f: {  	v22 =	vshll.u32 v25, $0x3;
	v15 =	vand.u32 $0x7F, v9;
	v24 =	vshll.u32 v24, $0x3  }
0x60: {  	s30 =	sadd.s32 $0x1, s30;
	v20 =	vmax.f32 v16, $0.0e+00;
	v16 =	vsub.f32 v17, v27;
	v17 =	vadd.f32 $1.000000000e+00, v28  }
0x61: {  	v8 =	vshll.u32 v8, $0x3  }
0x62: {  	v9 =	vshll.u32 v9, $0x3;
	v18 =	vand.u32 $0xFFFFFC00, v18;
	v19 =	vand.u32 $0xFFFFFC00, v19  }
0x63: {  	v23 =	vand.u32 $0xFFFFFC00, v23;
	v21 =	vand.u32 $0xFFFFFC00, v21;
	v22 =	vand.u32 $0xFFFFFC00, v22  }
0x64: {  	v24 =	vand.u32 $0xFFFFFC00, v24;
	v9 =	vand.u32 $0xFFFFFC00, v9;
	v22 =	vadd.s32 v3, v22  }
0x65: {  	v8 =	vand.u32 $0xFFFFFC00, v8;
	v9 =	vadd.s32 v3, v9;
	v13 =	vor.u32 v13, v22  }
0x66: {  	v8 =	vadd.s32 v3, v8;
	v9 =	vor.u32 v15, v9;
	v13 =	vor.u32 v1, v13  }
0x67: {  	v15 =	vadd.s32 v3, v21;
	v8 =	vor.u32 v10, v8;
	v9 =	vor.u32 v1, v9  }
0x68: {  	v10 =	vadd.s32 v3, v24;
	v6 =	vor.u32 v6, v15;
	v8 =	vor.u32 v1, v8  }
0x69: {  	v7 =	vor.u32 v7, v10;
	v10 =	vadd.s32 v3, v23;
	v6 =	vor.u32 v1, v6  }
0x6a: {  	v15 =	vadd.s32 v3, v19;
	v7 =	vor.u32 v1, v7;
	v5 =	vor.u32 v5, v10  }
0x6b: {  	v3 =	vadd.s32 v3, v18;
	v4 =	vor.u32 v4, v15;
	v5 =	vor.u32 v1, v5;
	v10 =	vld.idx.msk [tilespmem:v13+s2+$0x0], $0xffff  }
0x6c: {  	v2 =	vor.u32 v2, v3;
	v4 =	vor.u32 v1, v4;
	v9 =	vld.idx.msk [tilespmem:v9+s2+$0x0], $0xffff  }
0x6d: {  	v1 =	vor.u32 v1, v2;
	v3 =	vld.idx.msk [tilespmem:v8+s2+$0x0], $0xffff  }
0x6e: {  	v2 =	vld.idx.msk [tilespmem:v6+s2+$0x0], $0xffff  }
0x6f: {  	v6 =	vld.idx.msk [tilespmem:v7+s2+$0x0], $0xffff  }
0x70: {  	v5 =	vld.idx.msk [tilespmem:v5+s2+$0x0], $0xffff  }
0x71: {  	v4 =	vld.idx.msk [tilespmem:v4+s2+$0x0], $0xffff  }
0x72: {  	v1 =	vld.idx.msk [tilespmem:v1+s2+$0x0], $0xffff;
	_ =	swait.ge [sflag:s28], $0x8000  }
0x73: {  	v0 =	vadd.f32 v20, v0;
	v7 =	vadd.f32 $1.000000000e+00, v11;
	[sflag:s28] =	ssyncset.done $0x0  }
0x74: {  	v8 =	vmax.f32 v16, $0.0e+00;
	v11 =	vsub.f32 v17, v12;
	[sflag:s28] =	ssyncadd.s32 $0xFFFF8000  }
0x75: {  	v0 =	vadd.f32 v8, v0;
	v7 =	vsub.f32 v7, v14;
	_ =	swait.ge [sflag:s28], $0x800  }
0x76: {  	v8 =	vmax.f32 v11, $0.0e+00;
	v9 =	vadd.f32 $1.000000000e+00, v9;
	[sflag:s28] =	ssyncset.done $0x0  }
0x77: {  	s1 =	simm.s32 $0x0;
	v0 =	vadd.f32 v8, v0;
	v7 =	vmax.f32 v7, $0.0e+00;
	[sflag:s28] =	ssyncadd.s32 $0xFFFFF800  }
0x78: {  	v3 =	vadd.f32 $1.000000000e+00, v3;
	v7 =	vsel vm0, $0x0, v7;
	v8 =	vsub.f32 v9, v10;
	[tilespmem:s1], [sflag:$0x1] =	stream.linear.gather [hbm4b:s9+s1], $0x8000, $0x38;
	[tilespmem:$0x19880] =	vst v63  }
0x79: {  	s30 =	simm.s32 $0x18832;
	v0 =	vadd.f32 v7, v0  }
0x7a: {  	v2 =	vsub.f32 v3, v2;
	v3 =	vadd.f32 $1.000000000e+00, v6;
	v7 =	vmax.f32 v8, $0.0e+00;
	[tilespmem:s21], [sflag:$0x1] =	stream.linear.gather [hbm4b:s10+s1], $0x800, $0x38;
	[tilespmem:$0x19880] =	vst v63  }
0x7b: {  	v5 =	vadd.f32 $1.000000000e+00, v5;
	v0 =	vadd.f32 v7, v0;
	v6 =	vld [tilespmem:s30+$0xFFFFFFF0]  }
0x7c: {  	v2 =	vmax.f32 v2, $0.0e+00;
	v3 =	vsub.f32 v3, v4;
	v7 =	vld [tilespmem:s30+$0xFFFFFFEE]  }
0x7d: {  	v1 =	vsub.f32 v5, v1;
	v4 =	vld [tilespmem:s30+$0x22];
	v0 =	vadd.f32 v2, v0  }
0x7e: {  	v9 =	vmov s1;
	v3 =	vmax.f32 v3, $0.0e+00;
	v5 =	vld [tilespmem:s30+$0x20]  }
0x7f: {  	v10 =	vshll.u32 v9, $0x7;
	v1 =	vmax.f32 v1, $0.0e+00;
	v8 =	vld [tilespmem:s30+$0x10];
	v0 =	vadd.f32 v3, v0  }
0x80: {  	v9 =	vshll.u32 v9, $0xB;
	v10 =	vand.u32 $0x380, v10;
	v2 =	vld [tilespmem:s30+$0xFFFFFFDE];
	v1 =	vsel vm0, $0x0, v1  }
0x81: {  	v11 =	vand.u32 $0x4000, v9;
	v0 =	vadd.f32 v1, v0;
	v1 =	vld [tilespmem:s30+$0x0];
	v12 =	vand.u32 $0x7F, v7  }
0x82: {  	v13 =	vand.u32 $0x7F, v6;
	v6 =	vshll.u32 v6, $0x3;
	v14 =	vand.u32 $0x7F, v4  }
0x83: {  	v3 =	vld [tilespmem:s30+$0xFFFFFFCE];
	v7 =	vshll.u32 v7, $0x3;
	v15 =	vand.u32 $0x7F, v5;
	v4 =	vshll.u32 v4, $0x3  }
0x84: {  	v17 =	vand.u32 $0x7F, v8;
	v5 =	vshll.u32 v5, $0x3;
	v8 =	vshll.u32 v8, $0x3  }
0x85: {  	v9 =	vand.u32 $0x7F, v2;
	v2 =	vshll.u32 v2, $0x3;
	v7 =	vand.u32 $0xFFFFFC00, v7  }
0x86: {  	v5 =	vand.u32 $0xFFFFFC00, v5;
	v18 =	vand.u32 $0x7F, v1;
	v1 =	vshll.u32 v1, $0x3  }
0x87: {  	s1 =	simm.s32 $0x188B2;
	v8 =	vand.u32 $0xFFFFFC00, v8;
	v2 =	vand.u32 $0xFFFFFC00, v2;
	v1 =	vand.u32 $0xFFFFFC00, v1  }
0x88: {  	v19 =	vld [tilespmem:s1+$0xFFFFFFF0];
	v16 =	vand.u32 $0x7F, v3;
	v3 =	vshll.u32 v3, $0x3;
	v1 =	vadd.s32 v11, v1  }
0x89: {  	v20 =	vld [tilespmem:s1+$0xFFFFFFEE];
	v5 =	vadd.s32 v11, v5;
	v3 =	vand.u32 $0xFFFFFC00, v3;
	v1 =	vor.u32 v18, v1  }
0x8a: {  	v22 =	vld [tilespmem:s1+$0x22];
	v5 =	vor.u32 v15, v5;
	v3 =	vadd.s32 v11, v3;
	v1 =	vor.u32 v10, v1  }
0x8b: {  	v24 =	vld [tilespmem:s1+$0x20];
	v8 =	vadd.s32 v11, v8;
	v5 =	vor.u32 v10, v5;
	v3 =	vor.u32 v16, v3  }
0x8c: {  	v2 =	vadd.s32 v11, v2;
	v8 =	vor.u32 v17, v8;
	v17 =	vld [tilespmem:s1+$0xFFFFFFCE];
	v3 =	vor.u32 v10, v3  }
0x8d: {  	v4 =	vand.u32 $0xFFFFFC00, v4;
	v2 =	vor.u32 v9, v2;
	v16 =	vld [tilespmem:s1+$0xFFFFFFDE];
	v18 =	vor.u32 v10, v8  }
0x8e: {  	v4 =	vadd.s32 v11, v4;
	v7 =	vadd.s32 v11, v7;
	v2 =	vor.u32 v10, v2;
	v8 =	vld [tilespmem:s1+$0x10]  }
0x8f: {  	v6 =	vand.u32 $0xFFFFFC00, v6;
	v4 =	vor.u32 v14, v4;
	v7 =	vor.u32 v12, v7;
	v12 =	vld.idx.msk [tilespmem:v1+s22+$0x0], $0xffff  }
0x90: {  	v23 =	vshll.u32 v22, $0x3;
	v28 =	vld.idx.msk [tilespmem:v5+s22+$0x0], $0xffff;
	v1 =	vadd.s32 v11, v6;
	v11 =	vor.u32 v10, v4  }
0x91: {  	v15 =	vor.u32 v10, v7;
	v7 =	vand.u32 $0x7F, v24;
	v14 =	vld.idx.msk [tilespmem:v3+s22+$0x0], $0xffff;
	v1 =	vor.u32 v13, v1  }
0x92: {  	v24 =	vshll.u32 v24, $0x3;
	v5 =	vand.u32 $0x7F, v22;
	v25 =	vld.idx.msk [tilespmem:v18+s22+$0x0], $0xffff;
	v26 =	vor.u32 v10, v1  }
0x93: {  	s30 =	simm.s32 $0x1;
	v22 =	vshll.u32 v17, $0x3;
	v27 =	vld.idx.msk [tilespmem:v2+s22+$0x0], $0xffff;
	v2 =	vand.u32 $0x7F, v19;
	v21 =	vshll.u32 v16, $0x3  }
0x94: {  	v9 =	vld [tilespmem:s1+$0x0];
	v18 =	vshll.u32 v19, $0x3;
	v4 =	vmov s30;
	v12 =	vadd.f32 $1.000000000e+00, v12  }
0x95: {  	v19 =	vshll.u32 v20, $0x3;
	v6 =	vand.u32 $0x7F, v16;
	v3 =	vshll.u32 v4, $0x7;
	v11 =	vld.idx.msk [tilespmem:v11+s22+$0x0], $0xffff  }
0x96: {  	v4 =	vshll.u32 v4, $0xB;
	v13 =	vand.u32 $0x7F, v17;
	v16 =	vsub.f32 v12, v14;
	v12 =	vld.idx.msk [tilespmem:v15+s22+$0x0], $0xffff  }
0x97: {  	v17 =	vadd.f32 $1.000000000e+00, v28;
	v1 =	vand.u32 $0x380, v3;
	v25 =	vadd.f32 $1.000000000e+00, v25;
	v14 =	vld.idx.msk [tilespmem:v26+s22+$0x0], $0xffff  }
0x98: {  	v3 =	vand.u32 $0x4000, v4;
	v4 =	vand.u32 $0x7F, v20;
	v10 =	vand.u32 $0x7F, v8  }
0x99: {  	s30 =	simm.s32 $0x2;
	v15 =	vand.u32 $0x7F, v9;
	v20 =	vmax.f32 v16, $0.0e+00;
	v16 =	vsub.f32 v25, v27  }
.LBB2_4:
0x9a: {  	p0 =	sne.s32 s30, $0xF;
	v8 =	vshll.u32 v8, $0x3;
	v0 =	vadd.f32 v20, v0;
	v11 =	vadd.f32 $1.000000000e+00, v11  }
0x9b: {  	v9 =	vshll.u32 v9, $0x3;
	v16 =	vmax.f32 v16, $0.0e+00;
	v12 =	vsub.f32 v17, v12  }
0x9c: {  	v17 =	vand.u32 $0xFFFFFC00, v18;
	v0 =	vadd.f32 v16, v0;
	v11 =	vsub.f32 v11, v14  }
0x9d: {  	v14 =	vand.u32 $0xFFFFFC00, v19;
	v16 =	vand.u32 $0xFFFFFC00, v23;
	v12 =	vmax.f32 v12, $0.0e+00  }
0x9e: {  	s1 =	sadd.s32 $0x80, s1;
	v18 =	vand.u32 $0xFFFFFC00, v21;
	v0 =	vadd.f32 v12, v0;
	v11 =	vmax.f32 v11, $0.0e+00  }
0x9f: {  	v9 =	vand.u32 $0xFFFFFC00, v9;
	v19 =	vand.u32 $0xFFFFFC00, v24;
	v12 =	vld [tilespmem:s1+$0xFFFFFFF0];
	v11 =	vsel vm0, $0x0, v11  }
0xa0: {  	v21 =	vand.u32 $0xFFFFFC00, v22;
	v9 =	vadd.s32 v3, v9;
	v20 =	vld [tilespmem:s1+$0xFFFFFFEE];
	v0 =	vadd.f32 v11, v0  }
0xa1: {  	v8 =	vand.u32 $0xFFFFFC00, v8;
	v9 =	vor.u32 v15, v9;
	v11 =	vadd.s32 v3, v21;
	v22 =	vld [tilespmem:s1+$0x22]  }
0xa2: {  	v8 =	vadd.s32 v3, v8;
	v11 =	vor.u32 v13, v11;
	v13 =	vor.u32 v1, v9;
	v15 =	vld [tilespmem:s1+$0xFFFFFFDE]  }
0xa3: {  	v8 =	vor.u32 v10, v8;
	v9 =	vadd.s32 v3, v18;
	v11 =	vor.u32 v1, v11;
	v24 =	vld [tilespmem:s1+$0x20]  }
0xa4: {  	v10 =	vor.u32 v1, v8;
	v6 =	vor.u32 v6, v9;
	v9 =	vadd.s32 v3, v19;
	v25 =	vld [tilespmem:s1+$0xFFFFFFCE]  }
0xa5: {  	v16 =	vadd.s32 v3, v16;
	v6 =	vor.u32 v1, v6;
	v7 =	vor.u32 v7, v9;
	v8 =	vld [tilespmem:s1+$0x10]  }
0xa6: {  	v14 =	vadd.s32 v3, v14;
	v5 =	vor.u32 v5, v16;
	v7 =	vor.u32 v1, v7;
	v9 =	vld [tilespmem:s1+$0x0]  }
0xa7: {  	v4 =	vor.u32 v4, v14;
	v14 =	vor.u32 v1, v5;
	v3 =	vadd.s32 v3, v17;
	v13 =	vld.idx.msk [tilespmem:v13+s22+$0x0], $0xffff  }
0xa8: {  	v5 =	vmov s30;
	v17 =	vor.u32 v1, v4;
	v2 =	vor.u32 v2, v3;
	v16 =	vld.idx.msk [tilespmem:v11+s22+$0x0], $0xffff  }
0xa9: {  	v3 =	vshll.u32 v5, $0x7;
	v26 =	vld.idx.msk [tilespmem:v10+s22+$0x0], $0xffff;
	v10 =	vor.u32 v1, v2  }
0xaa: {  	v2 =	vshll.u32 v5, $0xB;
	v1 =	vand.u32 $0x380, v3;
	v27 =	vld.idx.msk [tilespmem:v6+s22+$0x0], $0xffff  }
0xab: {  	v4 =	vand.u32 $0x7F, v20;
	v3 =	vand.u32 $0x4000, v2;
	v2 =	vand.u32 $0x7F, v12;
	v28 =	vld.idx.msk [tilespmem:v7+s22+$0x0], $0xffff  }
0xac: {  	v18 =	vshll.u32 v12, $0x3;
	v5 =	vand.u32 $0x7F, v22;
	v6 =	vand.u32 $0x7F, v15;
	v11 =	vld.idx.msk [tilespmem:v14+s22+$0x0], $0xffff  }
.Ltmp1:
0xad: {  	v19 =	vshll.u32 v20, $0x3;
	v7 =	vand.u32 $0x7F, v24;
	v20 =	vadd.f32 $1.000000000e+00, v13;
	v12 =	vld.idx.msk [tilespmem:v17+s22+$0x0], $0xffff;
	(pc) =	sbr.rel @p0 .LBB2_4-.Ltmp1, $4  }
0xae: {  	v23 =	vshll.u32 v22, $0x3;
	v21 =	vshll.u32 v15, $0x3;
	v13 =	vand.u32 $0x7F, v25;
	v14 =	vld.idx.msk [tilespmem:v10+s22+$0x0], $0xffff  }
0xaf: {  	v10 =	vand.u32 $0x7F, v8;
	v16 =	vsub.f32 v20, v16;
	v17 =	vadd.f32 $1.000000000e+00, v26  }
0xb0: {  	v22 =	vshll.u32 v25, $0x3;
	v15 =	vand.u32 $0x7F, v9;
	v24 =	vshll.u32 v24, $0x3  }
0xb1: {  	s30 =	sadd.s32 $0x1, s30;
	v20 =	vmax.f32 v16, $0.0e+00;
	v16 =	vsub.f32 v17, v27;
	v17 =	vadd.f32 $1.000000000e+00, v28  }
0xb2: {  	v8 =	vshll.u32 v8, $0x3  }
0xb3: {  	v9 =	vshll.u32 v9, $0x3;
	v18 =	vand.u32 $0xFFFFFC00, v18;
	v19 =	vand.u32 $0xFFFFFC00, v19  }
0xb4: {  	v23 =	vand.u32 $0xFFFFFC00, v23;
	v21 =	vand.u32 $0xFFFFFC00, v21;
	v22 =	vand.u32 $0xFFFFFC00, v22  }
0xb5: {  	v24 =	vand.u32 $0xFFFFFC00, v24;
	v9 =	vand.u32 $0xFFFFFC00, v9;
	v22 =	vadd.s32 v3, v22  }
0xb6: {  	v8 =	vand.u32 $0xFFFFFC00, v8;
	v9 =	vadd.s32 v3, v9;
	v13 =	vor.u32 v13, v22  }
0xb7: {  	v8 =	vadd.s32 v3, v8;
	v9 =	vor.u32 v15, v9;
	v13 =	vor.u32 v1, v13  }
0xb8: {  	v15 =	vadd.s32 v3, v21;
	v8 =	vor.u32 v10, v8;
	v9 =	vor.u32 v1, v9  }
0xb9: {  	v10 =	vadd.s32 v3, v24;
	v6 =	vor.u32 v6, v15;
	v8 =	vor.u32 v1, v8  }
0xba: {  	v7 =	vor.u32 v7, v10;
	v10 =	vadd.s32 v3, v23;
	v6 =	vor.u32 v1, v6  }
0xbb: {  	v15 =	vadd.s32 v3, v19;
	v7 =	vor.u32 v1, v7;
	v5 =	vor.u32 v5, v10  }
0xbc: {  	v3 =	vadd.s32 v3, v18;
	v4 =	vor.u32 v4, v15;
	v5 =	vor.u32 v1, v5;
	v10 =	vld.idx.msk [tilespmem:v13+s22+$0x0], $0xffff  }
0xbd: {  	v2 =	vor.u32 v2, v3;
	v4 =	vor.u32 v1, v4;
	v9 =	vld.idx.msk [tilespmem:v9+s22+$0x0], $0xffff  }
0xbe: {  	v1 =	vor.u32 v1, v2;
	v3 =	vld.idx.msk [tilespmem:v8+s22+$0x0], $0xffff  }
0xbf: {  	v2 =	vld.idx.msk [tilespmem:v6+s22+$0x0], $0xffff  }
0xc0: {  	v6 =	vld.idx.msk [tilespmem:v7+s22+$0x0], $0xffff  }
0xc1: {  	v5 =	vld.idx.msk [tilespmem:v5+s22+$0x0], $0xffff  }
0xc2: {  	v4 =	vld.idx.msk [tilespmem:v4+s22+$0x0], $0xffff  }
0xc3: {  	v1 =	vld.idx.msk [tilespmem:v1+s22+$0x0], $0xffff;
	_ =	swait.ge [sflag:s29], $0x8000  }
0xc4: {  	v0 =	vadd.f32 v20, v0;
	v7 =	vadd.f32 $1.000000000e+00, v11;
	[sflag:s29] =	ssyncset.done $0x0  }
0xc5: {  	v8 =	vmax.f32 v16, $0.0e+00;
	v11 =	vsub.f32 v17, v12;
	[sflag:s29] =	ssyncadd.s32 $0xFFFF8000  }
0xc6: {  	v0 =	vadd.f32 v8, v0;
	v7 =	vsub.f32 v7, v14;
	_ =	swait.ge [sflag:s29], $0x800  }
0xc7: {  	v8 =	vmax.f32 v11, $0.0e+00;
	v9 =	vadd.f32 $1.000000000e+00, v9;
	[sflag:s29] =	ssyncset.done $0x0  }
0xc8: {  	s1 =	simm.s32 $0x0;
	v0 =	vadd.f32 v8, v0;
	v7 =	vmax.f32 v7, $0.0e+00;
	[sflag:s29] =	ssyncadd.s32 $0xFFFFF800  }
0xc9: {  	v3 =	vadd.f32 $1.000000000e+00, v3;
	v7 =	vsel vm0, $0x0, v7;
	v8 =	vsub.f32 v9, v10;
	[tilespmem:s22], [sflag:$0x2] =	stream.linear.gather [hbm4b:s11+s1], $0x8000, $0x38;
	[tilespmem:$0x19880] =	vst v63  }
0xca: {  	s30 =	simm.s32 $0x19032;
	v0 =	vadd.f32 v7, v0  }
0xcb: {  	v2 =	vsub.f32 v3, v2;
	v3 =	vadd.f32 $1.000000000e+00, v6;
	v7 =	vmax.f32 v8, $0.0e+00;
	[tilespmem:s23], [sflag:$0x2] =	stream.linear.gather [hbm4b:s12+s1], $0x800, $0x38;
	[tilespmem:$0x19880] =	vst v63  }
0xcc: {  	v5 =	vadd.f32 $1.000000000e+00, v5;
	v0 =	vadd.f32 v7, v0;
	v6 =	vld [tilespmem:s30+$0xFFFFFFF0]  }
0xcd: {  	v2 =	vmax.f32 v2, $0.0e+00;
	v3 =	vsub.f32 v3, v4;
	v7 =	vld [tilespmem:s30+$0xFFFFFFEE]  }
0xce: {  	v1 =	vsub.f32 v5, v1;
	v4 =	vld [tilespmem:s30+$0x22];
	v0 =	vadd.f32 v2, v0  }
0xcf: {  	v9 =	vmov s1;
	v3 =	vmax.f32 v3, $0.0e+00;
	v5 =	vld [tilespmem:s30+$0x20]  }
0xd0: {  	v10 =	vshll.u32 v9, $0x7;
	v1 =	vmax.f32 v1, $0.0e+00;
	v8 =	vld [tilespmem:s30+$0x10];
	v0 =	vadd.f32 v3, v0  }
0xd1: {  	v9 =	vshll.u32 v9, $0xB;
	v10 =	vand.u32 $0x380, v10;
	v2 =	vld [tilespmem:s30+$0xFFFFFFDE];
	v1 =	vsel vm0, $0x0, v1  }
0xd2: {  	v11 =	vand.u32 $0x4000, v9;
	v0 =	vadd.f32 v1, v0;
	v1 =	vld [tilespmem:s30+$0x0];
	v12 =	vand.u32 $0x7F, v7  }
0xd3: {  	v13 =	vand.u32 $0x7F, v6;
	v6 =	vshll.u32 v6, $0x3;
	v14 =	vand.u32 $0x7F, v4  }
0xd4: {  	v3 =	vld [tilespmem:s30+$0xFFFFFFCE];
	v7 =	vshll.u32 v7, $0x3;
	v15 =	vand.u32 $0x7F, v5;
	v4 =	vshll.u32 v4, $0x3  }
0xd5: {  	v17 =	vand.u32 $0x7F, v8;
	v5 =	vshll.u32 v5, $0x3;
	v8 =	vshll.u32 v8, $0x3  }
0xd6: {  	v9 =	vand.u32 $0x7F, v2;
	v2 =	vshll.u32 v2, $0x3;
	v7 =	vand.u32 $0xFFFFFC00, v7  }
0xd7: {  	v5 =	vand.u32 $0xFFFFFC00, v5;
	v18 =	vand.u32 $0x7F, v1;
	v1 =	vshll.u32 v1, $0x3  }
0xd8: {  	s1 =	simm.s32 $0x190B2;
	v8 =	vand.u32 $0xFFFFFC00, v8;
	v2 =	vand.u32 $0xFFFFFC00, v2;
	v1 =	vand.u32 $0xFFFFFC00, v1  }
0xd9: {  	v19 =	vld [tilespmem:s1+$0xFFFFFFF0];
	v16 =	vand.u32 $0x7F, v3;
	v3 =	vshll.u32 v3, $0x3;
	v1 =	vadd.s32 v11, v1  }
0xda: {  	v20 =	vld [tilespmem:s1+$0xFFFFFFEE];
	v5 =	vadd.s32 v11, v5;
	v3 =	vand.u32 $0xFFFFFC00, v3;
	v1 =	vor.u32 v18, v1  }
0xdb: {  	v22 =	vld [tilespmem:s1+$0x22];
	v5 =	vor.u32 v15, v5;
	v3 =	vadd.s32 v11, v3;
	v1 =	vor.u32 v10, v1  }
0xdc: {  	v24 =	vld [tilespmem:s1+$0x20];
	v8 =	vadd.s32 v11, v8;
	v5 =	vor.u32 v10, v5;
	v3 =	vor.u32 v16, v3  }
0xdd: {  	v2 =	vadd.s32 v11, v2;
	v8 =	vor.u32 v17, v8;
	v17 =	vld [tilespmem:s1+$0xFFFFFFCE];
	v3 =	vor.u32 v10, v3  }
0xde: {  	v4 =	vand.u32 $0xFFFFFC00, v4;
	v2 =	vor.u32 v9, v2;
	v16 =	vld [tilespmem:s1+$0xFFFFFFDE];
	v18 =	vor.u32 v10, v8  }
0xdf: {  	v4 =	vadd.s32 v11, v4;
	v7 =	vadd.s32 v11, v7;
	v2 =	vor.u32 v10, v2;
	v8 =	vld [tilespmem:s1+$0x10]  }
0xe0: {  	v6 =	vand.u32 $0xFFFFFC00, v6;
	v4 =	vor.u32 v14, v4;
	v7 =	vor.u32 v12, v7;
	v12 =	vld.idx.msk [tilespmem:v1+s25+$0x0], $0xffff  }
0xe1: {  	v23 =	vshll.u32 v22, $0x3;
	v28 =	vld.idx.msk [tilespmem:v5+s25+$0x0], $0xffff;
	v1 =	vadd.s32 v11, v6;
	v11 =	vor.u32 v10, v4  }
0xe2: {  	v15 =	vor.u32 v10, v7;
	v7 =	vand.u32 $0x7F, v24;
	v14 =	vld.idx.msk [tilespmem:v3+s25+$0x0], $0xffff;
	v1 =	vor.u32 v13, v1  }
0xe3: {  	v24 =	vshll.u32 v24, $0x3;
	v5 =	vand.u32 $0x7F, v22;
	v25 =	vld.idx.msk [tilespmem:v18+s25+$0x0], $0xffff;
	v26 =	vor.u32 v10, v1  }
0xe4: {  	s30 =	simm.s32 $0x1;
	v22 =	vshll.u32 v17, $0x3;
	v27 =	vld.idx.msk [tilespmem:v2+s25+$0x0], $0xffff;
	v2 =	vand.u32 $0x7F, v19;
	v21 =	vshll.u32 v16, $0x3  }
0xe5: {  	v9 =	vld [tilespmem:s1+$0x0];
	v18 =	vshll.u32 v19, $0x3;
	v4 =	vmov s30;
	v12 =	vadd.f32 $1.000000000e+00, v12  }
0xe6: {  	v19 =	vshll.u32 v20, $0x3;
	v6 =	vand.u32 $0x7F, v16;
	v3 =	vshll.u32 v4, $0x7;
	v11 =	vld.idx.msk [tilespmem:v11+s25+$0x0], $0xffff  }
0xe7: {  	v4 =	vshll.u32 v4, $0xB;
	v13 =	vand.u32 $0x7F, v17;
	v16 =	vsub.f32 v12, v14;
	v12 =	vld.idx.msk [tilespmem:v15+s25+$0x0], $0xffff  }
0xe8: {  	v17 =	vadd.f32 $1.000000000e+00, v28;
	v1 =	vand.u32 $0x380, v3;
	v25 =	vadd.f32 $1.000000000e+00, v25;
	v14 =	vld.idx.msk [tilespmem:v26+s25+$0x0], $0xffff  }
0xe9: {  	v3 =	vand.u32 $0x4000, v4;
	v4 =	vand.u32 $0x7F, v20;
	v10 =	vand.u32 $0x7F, v8  }
0xea: {  	s30 =	simm.s32 $0x2;
	v15 =	vand.u32 $0x7F, v9;
	v20 =	vmax.f32 v16, $0.0e+00;
	v16 =	vsub.f32 v25, v27  }
.LBB2_6:
0xeb: {  	p0 =	sne.s32 s30, $0xF;
	v8 =	vshll.u32 v8, $0x3;
	v0 =	vadd.f32 v20, v0;
	v11 =	vadd.f32 $1.000000000e+00, v11  }
0xec: {  	v9 =	vshll.u32 v9, $0x3;
	v16 =	vmax.f32 v16, $0.0e+00;
	v12 =	vsub.f32 v17, v12  }
0xed: {  	v17 =	vand.u32 $0xFFFFFC00, v18;
	v0 =	vadd.f32 v16, v0;
	v11 =	vsub.f32 v11, v14  }
0xee: {  	v14 =	vand.u32 $0xFFFFFC00, v19;
	v16 =	vand.u32 $0xFFFFFC00, v23;
	v12 =	vmax.f32 v12, $0.0e+00  }
0xef: {  	s1 =	sadd.s32 $0x80, s1;
	v18 =	vand.u32 $0xFFFFFC00, v21;
	v0 =	vadd.f32 v12, v0;
	v11 =	vmax.f32 v11, $0.0e+00  }
0xf0: {  	v9 =	vand.u32 $0xFFFFFC00, v9;
	v19 =	vand.u32 $0xFFFFFC00, v24;
	v12 =	vld [tilespmem:s1+$0xFFFFFFF0];
	v11 =	vsel vm0, $0x0, v11  }
0xf1: {  	v21 =	vand.u32 $0xFFFFFC00, v22;
	v9 =	vadd.s32 v3, v9;
	v20 =	vld [tilespmem:s1+$0xFFFFFFEE];
	v0 =	vadd.f32 v11, v0  }
0xf2: {  	v8 =	vand.u32 $0xFFFFFC00, v8;
	v9 =	vor.u32 v15, v9;
	v11 =	vadd.s32 v3, v21;
	v22 =	vld [tilespmem:s1+$0x22]  }
0xf3: {  	v8 =	vadd.s32 v3, v8;
	v11 =	vor.u32 v13, v11;
	v13 =	vor.u32 v1, v9;
	v15 =	vld [tilespmem:s1+$0xFFFFFFDE]  }
0xf4: {  	v8 =	vor.u32 v10, v8;
	v9 =	vadd.s32 v3, v18;
	v11 =	vor.u32 v1, v11;
	v24 =	vld [tilespmem:s1+$0x20]  }
0xf5: {  	v10 =	vor.u32 v1, v8;
	v6 =	vor.u32 v6, v9;
	v9 =	vadd.s32 v3, v19;
	v25 =	vld [tilespmem:s1+$0xFFFFFFCE]  }
0xf6: {  	v16 =	vadd.s32 v3, v16;
	v6 =	vor.u32 v1, v6;
	v7 =	vor.u32 v7, v9;
	v8 =	vld [tilespmem:s1+$0x10]  }
0xf7: {  	v14 =	vadd.s32 v3, v14;
	v5 =	vor.u32 v5, v16;
	v7 =	vor.u32 v1, v7;
	v9 =	vld [tilespmem:s1+$0x0]  }
0xf8: {  	v4 =	vor.u32 v4, v14;
	v14 =	vor.u32 v1, v5;
	v3 =	vadd.s32 v3, v17;
	v13 =	vld.idx.msk [tilespmem:v13+s25+$0x0], $0xffff  }
0xf9: {  	v5 =	vmov s30;
	v17 =	vor.u32 v1, v4;
	v2 =	vor.u32 v2, v3;
	v16 =	vld.idx.msk [tilespmem:v11+s25+$0x0], $0xffff  }
0xfa: {  	v3 =	vshll.u32 v5, $0x7;
	v26 =	vld.idx.msk [tilespmem:v10+s25+$0x0], $0xffff;
	v10 =	vor.u32 v1, v2  }
0xfb: {  	v2 =	vshll.u32 v5, $0xB;
	v1 =	vand.u32 $0x380, v3;
	v27 =	vld.idx.msk [tilespmem:v6+s25+$0x0], $0xffff  }
0xfc: {  	v4 =	vand.u32 $0x7F, v20;
	v3 =	vand.u32 $0x4000, v2;
	v2 =	vand.u32 $0x7F, v12;
	v28 =	vld.idx.msk [tilespmem:v7+s25+$0x0], $0xffff  }
0xfd: {  	v18 =	vshll.u32 v12, $0x3;
	v5 =	vand.u32 $0x7F, v22;
	v6 =	vand.u32 $0x7F, v15;
	v11 =	vld.idx.msk [tilespmem:v14+s25+$0x0], $0xffff  }
.Ltmp2:
0xfe: {  	v19 =	vshll.u32 v20, $0x3;
	v7 =	vand.u32 $0x7F, v24;
	v20 =	vadd.f32 $1.000000000e+00, v13;
	v12 =	vld.idx.msk [tilespmem:v17+s25+$0x0], $0xffff;
	(pc) =	sbr.rel @p0 .LBB2_6-.Ltmp2, $4  }
0xff: {  	v23 =	vshll.u32 v22, $0x3;
	v21 =	vshll.u32 v15, $0x3;
	v13 =	vand.u32 $0x7F, v25;
	v14 =	vld.idx.msk [tilespmem:v10+s25+$0x0], $0xffff  }
0x100: {  	v10 =	vand.u32 $0x7F, v8;
	v16 =	vsub.f32 v20, v16;
	v17 =	vadd.f32 $1.000000000e+00, v26  }
0x101: {  	v22 =	vshll.u32 v25, $0x3;
	v15 =	vand.u32 $0x7F, v9;
	v24 =	vshll.u32 v24, $0x3  }
0x102: {  	s30 =	sadd.s32 $0x1, s30;
	v20 =	vmax.f32 v16, $0.0e+00;
	v16 =	vsub.f32 v17, v27;
	v17 =	vadd.f32 $1.000000000e+00, v28  }
0x103: {  	v8 =	vshll.u32 v8, $0x3  }
0x104: {  	v9 =	vshll.u32 v9, $0x3;
	v18 =	vand.u32 $0xFFFFFC00, v18;
	v19 =	vand.u32 $0xFFFFFC00, v19  }
0x105: {  	v23 =	vand.u32 $0xFFFFFC00, v23;
	v21 =	vand.u32 $0xFFFFFC00, v21;
	v22 =	vand.u32 $0xFFFFFC00, v22  }
0x106: {  	v24 =	vand.u32 $0xFFFFFC00, v24;
	v9 =	vand.u32 $0xFFFFFC00, v9;
	v22 =	vadd.s32 v3, v22  }
0x107: {  	v8 =	vand.u32 $0xFFFFFC00, v8;
	v9 =	vadd.s32 v3, v9;
	v13 =	vor.u32 v13, v22  }
0x108: {  	v8 =	vadd.s32 v3, v8;
	v9 =	vor.u32 v15, v9;
	v13 =	vor.u32 v1, v13  }
0x109: {  	v15 =	vadd.s32 v3, v21;
	v8 =	vor.u32 v10, v8;
	v9 =	vor.u32 v1, v9  }
0x10a: {  	v10 =	vadd.s32 v3, v24;
	v6 =	vor.u32 v6, v15;
	v8 =	vor.u32 v1, v8  }
0x10b: {  	v7 =	vor.u32 v7, v10;
	v10 =	vadd.s32 v3, v23;
	v6 =	vor.u32 v1, v6  }
0x10c: {  	v15 =	vadd.s32 v3, v19;
	v7 =	vor.u32 v1, v7;
	v5 =	vor.u32 v5, v10  }
0x10d: {  	v3 =	vadd.s32 v3, v18;
	v4 =	vor.u32 v4, v15;
	v5 =	vor.u32 v1, v5;
	v10 =	vld.idx.msk [tilespmem:v13+s25+$0x0], $0xffff  }
0x10e: {  	v2 =	vor.u32 v2, v3;
	v4 =	vor.u32 v1, v4;
	v9 =	vld.idx.msk [tilespmem:v9+s25+$0x0], $0xffff  }
0x10f: {  	v1 =	vor.u32 v1, v2;
	v3 =	vld.idx.msk [tilespmem:v8+s25+$0x0], $0xffff  }
0x110: {  	v2 =	vld.idx.msk [tilespmem:v6+s25+$0x0], $0xffff  }
0x111: {  	v6 =	vld.idx.msk [tilespmem:v7+s25+$0x0], $0xffff  }
0x112: {  	v5 =	vld.idx.msk [tilespmem:v5+s25+$0x0], $0xffff  }
0x113: {  	v4 =	vld.idx.msk [tilespmem:v4+s25+$0x0], $0xffff  }
0x114: {  	v1 =	vld.idx.msk [tilespmem:v1+s25+$0x0], $0xffff;
	_ =	swait.ge [sflag:s24], $0x8000  }
0x115: {  	v0 =	vadd.f32 v20, v0;
	v7 =	vadd.f32 $1.000000000e+00, v11;
	[sflag:s24] =	ssyncset.done $0x0  }
0x116: {  	v8 =	vmax.f32 v16, $0.0e+00;
	v11 =	vsub.f32 v17, v12;
	[sflag:s24] =	ssyncadd.s32 $0xFFFF8000  }
0x117: {  	v0 =	vadd.f32 v8, v0;
	v7 =	vsub.f32 v7, v14;
	_ =	swait.ge [sflag:s24], $0x800  }
0x118: {  	v8 =	vmax.f32 v11, $0.0e+00;
	v9 =	vadd.f32 $1.000000000e+00, v9;
	[sflag:s24] =	ssyncset.done $0x0  }
0x119: {  	s1 =	simm.s32 $0x0;
	v0 =	vadd.f32 v8, v0;
	v7 =	vmax.f32 v7, $0.0e+00;
	[sflag:s24] =	ssyncadd.s32 $0xFFFFF800  }
0x11a: {  	v3 =	vadd.f32 $1.000000000e+00, v3;
	v7 =	vsel vm0, $0x0, v7;
	v8 =	vsub.f32 v9, v10;
	[tilespmem:s25], [sflag:$0x3] =	stream.linear.gather [hbm4b:s13+s1], $0x8000, $0x38;
	[tilespmem:$0x19880] =	vst v63  }
0x11b: {  	s30 =	simm.s32 $0x18032;
	v0 =	vadd.f32 v7, v0  }
0x11c: {  	v2 =	vsub.f32 v3, v2;
	v3 =	vadd.f32 $1.000000000e+00, v6;
	v7 =	vmax.f32 v8, $0.0e+00;
	[tilespmem:s26], [sflag:$0x3] =	stream.linear.gather [hbm4b:s14+s1], $0x800, $0x38;
	[tilespmem:$0x19880] =	vst v63  }
0x11d: {  	v5 =	vadd.f32 $1.000000000e+00, v5;
	v0 =	vadd.f32 v7, v0;
	v6 =	vld [tilespmem:s30+$0xFFFFFFF0]  }
0x11e: {  	v2 =	vmax.f32 v2, $0.0e+00;
	v3 =	vsub.f32 v3, v4;
	v7 =	vld [tilespmem:s30+$0xFFFFFFEE]  }
0x11f: {  	v1 =	vsub.f32 v5, v1;
	v4 =	vld [tilespmem:s30+$0x22];
	v0 =	vadd.f32 v2, v0  }
0x120: {  	v9 =	vmov s1;
	v3 =	vmax.f32 v3, $0.0e+00;
	v5 =	vld [tilespmem:s30+$0x20]  }
0x121: {  	v10 =	vshll.u32 v9, $0x7;
	v1 =	vmax.f32 v1, $0.0e+00;
	v8 =	vld [tilespmem:s30+$0x10];
	v0 =	vadd.f32 v3, v0  }
0x122: {  	v9 =	vshll.u32 v9, $0xB;
	v10 =	vand.u32 $0x380, v10;
	v2 =	vld [tilespmem:s30+$0xFFFFFFDE];
	v1 =	vsel vm0, $0x0, v1  }
0x123: {  	v11 =	vand.u32 $0x4000, v9;
	v0 =	vadd.f32 v1, v0;
	v1 =	vld [tilespmem:s30+$0x0];
	v12 =	vand.u32 $0x7F, v7  }
0x124: {  	v13 =	vand.u32 $0x7F, v6;
	v6 =	vshll.u32 v6, $0x3;
	v14 =	vand.u32 $0x7F, v4  }
0x125: {  	v3 =	vld [tilespmem:s30+$0xFFFFFFCE];
	v7 =	vshll.u32 v7, $0x3;
	v15 =	vand.u32 $0x7F, v5;
	v4 =	vshll.u32 v4, $0x3  }
0x126: {  	v17 =	vand.u32 $0x7F, v8;
	v5 =	vshll.u32 v5, $0x3;
	v8 =	vshll.u32 v8, $0x3  }
0x127: {  	v9 =	vand.u32 $0x7F, v2;
	v2 =	vshll.u32 v2, $0x3;
	v7 =	vand.u32 $0xFFFFFC00, v7  }
0x128: {  	v5 =	vand.u32 $0xFFFFFC00, v5;
	v18 =	vand.u32 $0x7F, v1;
	v1 =	vshll.u32 v1, $0x3  }
0x129: {  	s1 =	simm.s32 $0x180B2;
	v8 =	vand.u32 $0xFFFFFC00, v8;
	v2 =	vand.u32 $0xFFFFFC00, v2;
	v1 =	vand.u32 $0xFFFFFC00, v1  }
0x12a: {  	v19 =	vld [tilespmem:s1+$0xFFFFFFF0];
	v16 =	vand.u32 $0x7F, v3;
	v3 =	vshll.u32 v3, $0x3;
	v1 =	vadd.s32 v11, v1  }
0x12b: {  	v20 =	vld [tilespmem:s1+$0xFFFFFFEE];
	v5 =	vadd.s32 v11, v5;
	v3 =	vand.u32 $0xFFFFFC00, v3;
	v1 =	vor.u32 v18, v1  }
0x12c: {  	v22 =	vld [tilespmem:s1+$0x22];
	v5 =	vor.u32 v15, v5;
	v3 =	vadd.s32 v11, v3;
	v1 =	vor.u32 v10, v1  }
0x12d: {  	v24 =	vld [tilespmem:s1+$0x20];
	v8 =	vadd.s32 v11, v8;
	v5 =	vor.u32 v10, v5;
	v3 =	vor.u32 v16, v3  }
0x12e: {  	v2 =	vadd.s32 v11, v2;
	v8 =	vor.u32 v17, v8;
	v17 =	vld [tilespmem:s1+$0xFFFFFFCE];
	v3 =	vor.u32 v10, v3  }
0x12f: {  	v4 =	vand.u32 $0xFFFFFC00, v4;
	v2 =	vor.u32 v9, v2;
	v16 =	vld [tilespmem:s1+$0xFFFFFFDE];
	v18 =	vor.u32 v10, v8  }
0x130: {  	v4 =	vadd.s32 v11, v4;
	v7 =	vadd.s32 v11, v7;
	v2 =	vor.u32 v10, v2;
	v8 =	vld [tilespmem:s1+$0x10]  }
0x131: {  	v6 =	vand.u32 $0xFFFFFC00, v6;
	v4 =	vor.u32 v14, v4;
	v7 =	vor.u32 v12, v7;
	v12 =	vld.idx.msk [tilespmem:v1+s2+$0x0], $0xffff  }
0x132: {  	v23 =	vshll.u32 v22, $0x3;
	v28 =	vld.idx.msk [tilespmem:v5+s2+$0x0], $0xffff;
	v1 =	vadd.s32 v11, v6;
	v11 =	vor.u32 v10, v4  }
0x133: {  	v15 =	vor.u32 v10, v7;
	v7 =	vand.u32 $0x7F, v24;
	v14 =	vld.idx.msk [tilespmem:v3+s2+$0x0], $0xffff;
	v1 =	vor.u32 v13, v1  }
0x134: {  	v24 =	vshll.u32 v24, $0x3;
	v5 =	vand.u32 $0x7F, v22;
	v25 =	vld.idx.msk [tilespmem:v18+s2+$0x0], $0xffff;
	v26 =	vor.u32 v10, v1  }
0x135: {  	s30 =	simm.s32 $0x1;
	v22 =	vshll.u32 v17, $0x3;
	v27 =	vld.idx.msk [tilespmem:v2+s2+$0x0], $0xffff;
	v2 =	vand.u32 $0x7F, v19;
	v21 =	vshll.u32 v16, $0x3  }
0x136: {  	v9 =	vld [tilespmem:s1+$0x0];
	v18 =	vshll.u32 v19, $0x3;
	v4 =	vmov s30;
	v12 =	vadd.f32 $1.000000000e+00, v12  }
0x137: {  	v19 =	vshll.u32 v20, $0x3;
	v6 =	vand.u32 $0x7F, v16;
	v3 =	vshll.u32 v4, $0x7;
	v11 =	vld.idx.msk [tilespmem:v11+s2+$0x0], $0xffff  }
0x138: {  	v4 =	vshll.u32 v4, $0xB;
	v13 =	vand.u32 $0x7F, v17;
	v16 =	vsub.f32 v12, v14;
	v12 =	vld.idx.msk [tilespmem:v15+s2+$0x0], $0xffff  }
0x139: {  	v17 =	vadd.f32 $1.000000000e+00, v28;
	v1 =	vand.u32 $0x380, v3;
	v25 =	vadd.f32 $1.000000000e+00, v25;
	v14 =	vld.idx.msk [tilespmem:v26+s2+$0x0], $0xffff  }
0x13a: {  	v3 =	vand.u32 $0x4000, v4;
	v4 =	vand.u32 $0x7F, v20;
	v10 =	vand.u32 $0x7F, v8  }
0x13b: {  	s30 =	simm.s32 $0x2;
	v15 =	vand.u32 $0x7F, v9;
	v20 =	vmax.f32 v16, $0.0e+00;
	v16 =	vsub.f32 v25, v27  }
.LBB2_8:
0x13c: {  	p0 =	sne.s32 s30, $0xF;
	v8 =	vshll.u32 v8, $0x3;
	v0 =	vadd.f32 v20, v0;
	v11 =	vadd.f32 $1.000000000e+00, v11  }
0x13d: {  	v9 =	vshll.u32 v9, $0x3;
	v16 =	vmax.f32 v16, $0.0e+00;
	v12 =	vsub.f32 v17, v12  }
0x13e: {  	v17 =	vand.u32 $0xFFFFFC00, v18;
	v0 =	vadd.f32 v16, v0;
	v11 =	vsub.f32 v11, v14  }
0x13f: {  	v14 =	vand.u32 $0xFFFFFC00, v19;
	v16 =	vand.u32 $0xFFFFFC00, v23;
	v12 =	vmax.f32 v12, $0.0e+00  }
0x140: {  	s1 =	sadd.s32 $0x80, s1;
	v18 =	vand.u32 $0xFFFFFC00, v21;
	v0 =	vadd.f32 v12, v0;
	v11 =	vmax.f32 v11, $0.0e+00  }
0x141: {  	v9 =	vand.u32 $0xFFFFFC00, v9;
	v19 =	vand.u32 $0xFFFFFC00, v24;
	v12 =	vld [tilespmem:s1+$0xFFFFFFF0];
	v11 =	vsel vm0, $0x0, v11  }
0x142: {  	v21 =	vand.u32 $0xFFFFFC00, v22;
	v9 =	vadd.s32 v3, v9;
	v20 =	vld [tilespmem:s1+$0xFFFFFFEE];
	v0 =	vadd.f32 v11, v0  }
0x143: {  	v8 =	vand.u32 $0xFFFFFC00, v8;
	v9 =	vor.u32 v15, v9;
	v11 =	vadd.s32 v3, v21;
	v22 =	vld [tilespmem:s1+$0x22]  }
0x144: {  	v8 =	vadd.s32 v3, v8;
	v11 =	vor.u32 v13, v11;
	v13 =	vor.u32 v1, v9;
	v15 =	vld [tilespmem:s1+$0xFFFFFFDE]  }
0x145: {  	v8 =	vor.u32 v10, v8;
	v9 =	vadd.s32 v3, v18;
	v11 =	vor.u32 v1, v11;
	v24 =	vld [tilespmem:s1+$0x20]  }
0x146: {  	v10 =	vor.u32 v1, v8;
	v6 =	vor.u32 v6, v9;
	v9 =	vadd.s32 v3, v19;
	v25 =	vld [tilespmem:s1+$0xFFFFFFCE]  }
0x147: {  	v16 =	vadd.s32 v3, v16;
	v6 =	vor.u32 v1, v6;
	v7 =	vor.u32 v7, v9;
	v8 =	vld [tilespmem:s1+$0x10]  }
0x148: {  	v14 =	vadd.s32 v3, v14;
	v5 =	vor.u32 v5, v16;
	v7 =	vor.u32 v1, v7;
	v9 =	vld [tilespmem:s1+$0x0]  }
0x149: {  	v4 =	vor.u32 v4, v14;
	v14 =	vor.u32 v1, v5;
	v3 =	vadd.s32 v3, v17;
	v13 =	vld.idx.msk [tilespmem:v13+s2+$0x0], $0xffff  }
0x14a: {  	v5 =	vmov s30;
	v17 =	vor.u32 v1, v4;
	v2 =	vor.u32 v2, v3;
	v16 =	vld.idx.msk [tilespmem:v11+s2+$0x0], $0xffff  }
0x14b: {  	v3 =	vshll.u32 v5, $0x7;
	v26 =	vld.idx.msk [tilespmem:v10+s2+$0x0], $0xffff;
	v10 =	vor.u32 v1, v2  }
0x14c: {  	v2 =	vshll.u32 v5, $0xB;
	v1 =	vand.u32 $0x380, v3;
	v27 =	vld.idx.msk [tilespmem:v6+s2+$0x0], $0xffff  }
0x14d: {  	v4 =	vand.u32 $0x7F, v20;
	v3 =	vand.u32 $0x4000, v2;
	v2 =	vand.u32 $0x7F, v12;
	v28 =	vld.idx.msk [tilespmem:v7+s2+$0x0], $0xffff  }
0x14e: {  	v18 =	vshll.u32 v12, $0x3;
	v5 =	vand.u32 $0x7F, v22;
	v6 =	vand.u32 $0x7F, v15;
	v11 =	vld.idx.msk [tilespmem:v14+s2+$0x0], $0xffff  }
.Ltmp3:
0x14f: {  	v19 =	vshll.u32 v20, $0x3;
	v7 =	vand.u32 $0x7F, v24;
	v20 =	vadd.f32 $1.000000000e+00, v13;
	v12 =	vld.idx.msk [tilespmem:v17+s2+$0x0], $0xffff;
	(pc) =	sbr.rel @p0 .LBB2_8-.Ltmp3, $4  }
0x150: {  	v23 =	vshll.u32 v22, $0x3;
	v21 =	vshll.u32 v15, $0x3;
	v13 =	vand.u32 $0x7F, v25;
	v14 =	vld.idx.msk [tilespmem:v10+s2+$0x0], $0xffff  }
0x151: {  	v10 =	vand.u32 $0x7F, v8;
	v16 =	vsub.f32 v20, v16;
	v17 =	vadd.f32 $1.000000000e+00, v26  }
0x152: {  	v22 =	vshll.u32 v25, $0x3;
	v15 =	vand.u32 $0x7F, v9;
	v24 =	vshll.u32 v24, $0x3  }
0x153: {  	s30 =	sadd.s32 $0x1, s30;
	v20 =	vmax.f32 v16, $0.0e+00;
	v16 =	vsub.f32 v17, v27;
	v17 =	vadd.f32 $1.000000000e+00, v28  }
0x154: {  	v8 =	vshll.u32 v8, $0x3  }
0x155: {  	v9 =	vshll.u32 v9, $0x3;
	v18 =	vand.u32 $0xFFFFFC00, v18;
	v19 =	vand.u32 $0xFFFFFC00, v19  }
0x156: {  	v23 =	vand.u32 $0xFFFFFC00, v23;
	v21 =	vand.u32 $0xFFFFFC00, v21;
	v22 =	vand.u32 $0xFFFFFC00, v22  }
0x157: {  	v24 =	vand.u32 $0xFFFFFC00, v24;
	v9 =	vand.u32 $0xFFFFFC00, v9;
	v22 =	vadd.s32 v3, v22  }
0x158: {  	v8 =	vand.u32 $0xFFFFFC00, v8;
	v9 =	vadd.s32 v3, v9;
	v13 =	vor.u32 v13, v22  }
0x159: {  	v8 =	vadd.s32 v3, v8;
	v9 =	vor.u32 v15, v9;
	v13 =	vor.u32 v1, v13  }
0x15a: {  	v15 =	vadd.s32 v3, v21;
	v8 =	vor.u32 v10, v8;
	v9 =	vor.u32 v1, v9  }
0x15b: {  	v10 =	vadd.s32 v3, v24;
	v6 =	vor.u32 v6, v15;
	v8 =	vor.u32 v1, v8  }
0x15c: {  	v7 =	vor.u32 v7, v10;
	v10 =	vadd.s32 v3, v23;
	v6 =	vor.u32 v1, v6  }
0x15d: {  	v15 =	vadd.s32 v3, v19;
	v7 =	vor.u32 v1, v7;
	v5 =	vor.u32 v5, v10  }
0x15e: {  	v3 =	vadd.s32 v3, v18;
	v4 =	vor.u32 v4, v15;
	v5 =	vor.u32 v1, v5;
	v10 =	vld.idx.msk [tilespmem:v13+s2+$0x0], $0xffff  }
0x15f: {  	v2 =	vor.u32 v2, v3;
	v4 =	vor.u32 v1, v4;
	v9 =	vld.idx.msk [tilespmem:v9+s2+$0x0], $0xffff  }
0x160: {  	v1 =	vor.u32 v1, v2;
	v3 =	vld.idx.msk [tilespmem:v8+s2+$0x0], $0xffff  }
0x161: {  	v2 =	vld.idx.msk [tilespmem:v6+s2+$0x0], $0xffff  }
0x162: {  	v6 =	vld.idx.msk [tilespmem:v7+s2+$0x0], $0xffff  }
0x163: {  	v5 =	vld.idx.msk [tilespmem:v5+s2+$0x0], $0xffff  }
0x164: {  	v4 =	vld.idx.msk [tilespmem:v4+s2+$0x0], $0xffff  }
0x165: {  	v1 =	vld.idx.msk [tilespmem:v1+s2+$0x0], $0xffff;
	_ =	swait.ge [sflag:s28], $0x8000  }
0x166: {  	v0 =	vadd.f32 v20, v0;
	v7 =	vadd.f32 $1.000000000e+00, v11;
	[sflag:s28] =	ssyncset.done $0x0  }
0x167: {  	v8 =	vmax.f32 v16, $0.0e+00;
	v11 =	vsub.f32 v17, v12;
	[sflag:s28] =	ssyncadd.s32 $0xFFFF8000  }
0x168: {  	v0 =	vadd.f32 v8, v0;
	v7 =	vsub.f32 v7, v14;
	_ =	swait.ge [sflag:s28], $0x800  }
0x169: {  	v8 =	vmax.f32 v11, $0.0e+00;
	v9 =	vadd.f32 $1.000000000e+00, v9;
	[sflag:s28] =	ssyncset.done $0x0  }
0x16a: {  	s1 =	simm.s32 $0x0;
	v0 =	vadd.f32 v8, v0;
	v7 =	vmax.f32 v7, $0.0e+00;
	[sflag:s28] =	ssyncadd.s32 $0xFFFFF800  }
0x16b: {  	v3 =	vadd.f32 $1.000000000e+00, v3;
	v7 =	vsel vm0, $0x0, v7;
	v8 =	vsub.f32 v9, v10;
	[tilespmem:s1], [sflag:$0x1] =	stream.linear.gather [hbm4b:s15+s1], $0x8000, $0x38;
	[tilespmem:$0x19880] =	vst v63  }
0x16c: {  	s30 =	simm.s32 $0x18832;
	v0 =	vadd.f32 v7, v0  }
0x16d: {  	v2 =	vsub.f32 v3, v2;
	v3 =	vadd.f32 $1.000000000e+00, v6;
	v7 =	vmax.f32 v8, $0.0e+00;
	[tilespmem:s21], [sflag:$0x1] =	stream.linear.gather [hbm4b:s16+s1], $0x800, $0x38;
	[tilespmem:$0x19880] =	vst v63  }
0x16e: {  	v5 =	vadd.f32 $1.000000000e+00, v5;
	v0 =	vadd.f32 v7, v0;
	v6 =	vld [tilespmem:s30+$0xFFFFFFF0]  }
0x16f: {  	v2 =	vmax.f32 v2, $0.0e+00;
	v3 =	vsub.f32 v3, v4;
	v7 =	vld [tilespmem:s30+$0xFFFFFFEE]  }
0x170: {  	v1 =	vsub.f32 v5, v1;
	v4 =	vld [tilespmem:s30+$0x22];
	v0 =	vadd.f32 v2, v0  }
0x171: {  	v9 =	vmov s1;
	v3 =	vmax.f32 v3, $0.0e+00;
	v5 =	vld [tilespmem:s30+$0x20]  }
0x172: {  	v10 =	vshll.u32 v9, $0x7;
	v1 =	vmax.f32 v1, $0.0e+00;
	v8 =	vld [tilespmem:s30+$0x10];
	v0 =	vadd.f32 v3, v0  }
0x173: {  	v9 =	vshll.u32 v9, $0xB;
	v10 =	vand.u32 $0x380, v10;
	v2 =	vld [tilespmem:s30+$0xFFFFFFDE];
	v1 =	vsel vm0, $0x0, v1  }
0x174: {  	v11 =	vand.u32 $0x4000, v9;
	v0 =	vadd.f32 v1, v0;
	v1 =	vld [tilespmem:s30+$0x0];
	v12 =	vand.u32 $0x7F, v7  }
0x175: {  	v13 =	vand.u32 $0x7F, v6;
	v6 =	vshll.u32 v6, $0x3;
	v14 =	vand.u32 $0x7F, v4  }
0x176: {  	v3 =	vld [tilespmem:s30+$0xFFFFFFCE];
	v7 =	vshll.u32 v7, $0x3;
	v15 =	vand.u32 $0x7F, v5;
	v4 =	vshll.u32 v4, $0x3  }
0x177: {  	v17 =	vand.u32 $0x7F, v8;
	v5 =	vshll.u32 v5, $0x3;
	v8 =	vshll.u32 v8, $0x3  }
0x178: {  	v9 =	vand.u32 $0x7F, v2;
	v2 =	vshll.u32 v2, $0x3;
	v7 =	vand.u32 $0xFFFFFC00, v7  }
0x179: {  	v5 =	vand.u32 $0xFFFFFC00, v5;
	v18 =	vand.u32 $0x7F, v1;
	v1 =	vshll.u32 v1, $0x3  }
0x17a: {  	s1 =	simm.s32 $0x188B2;
	v8 =	vand.u32 $0xFFFFFC00, v8;
	v2 =	vand.u32 $0xFFFFFC00, v2;
	v1 =	vand.u32 $0xFFFFFC00, v1  }
0x17b: {  	v19 =	vld [tilespmem:s1+$0xFFFFFFF0];
	v16 =	vand.u32 $0x7F, v3;
	v3 =	vshll.u32 v3, $0x3;
	v1 =	vadd.s32 v11, v1  }
0x17c: {  	v20 =	vld [tilespmem:s1+$0xFFFFFFEE];
	v5 =	vadd.s32 v11, v5;
	v3 =	vand.u32 $0xFFFFFC00, v3;
	v1 =	vor.u32 v18, v1  }
0x17d: {  	v22 =	vld [tilespmem:s1+$0x22];
	v5 =	vor.u32 v15, v5;
	v3 =	vadd.s32 v11, v3;
	v1 =	vor.u32 v10, v1  }
0x17e: {  	v24 =	vld [tilespmem:s1+$0x20];
	v8 =	vadd.s32 v11, v8;
	v5 =	vor.u32 v10, v5;
	v3 =	vor.u32 v16, v3  }
0x17f: {  	v2 =	vadd.s32 v11, v2;
	v8 =	vor.u32 v17, v8;
	v17 =	vld [tilespmem:s1+$0xFFFFFFCE];
	v3 =	vor.u32 v10, v3  }
0x180: {  	v4 =	vand.u32 $0xFFFFFC00, v4;
	v2 =	vor.u32 v9, v2;
	v16 =	vld [tilespmem:s1+$0xFFFFFFDE];
	v18 =	vor.u32 v10, v8  }
0x181: {  	v4 =	vadd.s32 v11, v4;
	v7 =	vadd.s32 v11, v7;
	v2 =	vor.u32 v10, v2;
	v8 =	vld [tilespmem:s1+$0x10]  }
0x182: {  	v6 =	vand.u32 $0xFFFFFC00, v6;
	v4 =	vor.u32 v14, v4;
	v7 =	vor.u32 v12, v7;
	v12 =	vld.idx.msk [tilespmem:v1+s22+$0x0], $0xffff  }
0x183: {  	v23 =	vshll.u32 v22, $0x3;
	v28 =	vld.idx.msk [tilespmem:v5+s22+$0x0], $0xffff;
	v1 =	vadd.s32 v11, v6;
	v11 =	vor.u32 v10, v4  }
0x184: {  	v15 =	vor.u32 v10, v7;
	v7 =	vand.u32 $0x7F, v24;
	v14 =	vld.idx.msk [tilespmem:v3+s22+$0x0], $0xffff;
	v1 =	vor.u32 v13, v1  }
0x185: {  	v24 =	vshll.u32 v24, $0x3;
	v5 =	vand.u32 $0x7F, v22;
	v25 =	vld.idx.msk [tilespmem:v18+s22+$0x0], $0xffff;
	v26 =	vor.u32 v10, v1  }
0x186: {  	s30 =	simm.s32 $0x1;
	v22 =	vshll.u32 v17, $0x3;
	v27 =	vld.idx.msk [tilespmem:v2+s22+$0x0], $0xffff;
	v2 =	vand.u32 $0x7F, v19;
	v21 =	vshll.u32 v16, $0x3  }
0x187: {  	v9 =	vld [tilespmem:s1+$0x0];
	v18 =	vshll.u32 v19, $0x3;
	v4 =	vmov s30;
	v12 =	vadd.f32 $1.000000000e+00, v12  }
0x188: {  	v19 =	vshll.u32 v20, $0x3;
	v6 =	vand.u32 $0x7F, v16;
	v3 =	vshll.u32 v4, $0x7;
	v11 =	vld.idx.msk [tilespmem:v11+s22+$0x0], $0xffff  }
0x189: {  	v4 =	vshll.u32 v4, $0xB;
	v13 =	vand.u32 $0x7F, v17;
	v16 =	vsub.f32 v12, v14;
	v12 =	vld.idx.msk [tilespmem:v15+s22+$0x0], $0xffff  }
0x18a: {  	v17 =	vadd.f32 $1.000000000e+00, v28;
	v1 =	vand.u32 $0x380, v3;
	v25 =	vadd.f32 $1.000000000e+00, v25;
	v14 =	vld.idx.msk [tilespmem:v26+s22+$0x0], $0xffff  }
0x18b: {  	v3 =	vand.u32 $0x4000, v4;
	v4 =	vand.u32 $0x7F, v20;
	v10 =	vand.u32 $0x7F, v8  }
0x18c: {  	s30 =	simm.s32 $0x2;
	v15 =	vand.u32 $0x7F, v9;
	v20 =	vmax.f32 v16, $0.0e+00;
	v16 =	vsub.f32 v25, v27  }
.LBB2_10:
0x18d: {  	p0 =	sne.s32 s30, $0xF;
	v8 =	vshll.u32 v8, $0x3;
	v0 =	vadd.f32 v20, v0;
	v11 =	vadd.f32 $1.000000000e+00, v11  }
0x18e: {  	v9 =	vshll.u32 v9, $0x3;
	v16 =	vmax.f32 v16, $0.0e+00;
	v12 =	vsub.f32 v17, v12  }
0x18f: {  	v17 =	vand.u32 $0xFFFFFC00, v18;
	v0 =	vadd.f32 v16, v0;
	v11 =	vsub.f32 v11, v14  }
0x190: {  	v14 =	vand.u32 $0xFFFFFC00, v19;
	v16 =	vand.u32 $0xFFFFFC00, v23;
	v12 =	vmax.f32 v12, $0.0e+00  }
0x191: {  	s1 =	sadd.s32 $0x80, s1;
	v18 =	vand.u32 $0xFFFFFC00, v21;
	v0 =	vadd.f32 v12, v0;
	v11 =	vmax.f32 v11, $0.0e+00  }
0x192: {  	v9 =	vand.u32 $0xFFFFFC00, v9;
	v19 =	vand.u32 $0xFFFFFC00, v24;
	v12 =	vld [tilespmem:s1+$0xFFFFFFF0];
	v11 =	vsel vm0, $0x0, v11  }
0x193: {  	v21 =	vand.u32 $0xFFFFFC00, v22;
	v9 =	vadd.s32 v3, v9;
	v20 =	vld [tilespmem:s1+$0xFFFFFFEE];
	v0 =	vadd.f32 v11, v0  }
0x194: {  	v8 =	vand.u32 $0xFFFFFC00, v8;
	v9 =	vor.u32 v15, v9;
	v11 =	vadd.s32 v3, v21;
	v22 =	vld [tilespmem:s1+$0x22]  }
0x195: {  	v8 =	vadd.s32 v3, v8;
	v11 =	vor.u32 v13, v11;
	v13 =	vor.u32 v1, v9;
	v15 =	vld [tilespmem:s1+$0xFFFFFFDE]  }
0x196: {  	v8 =	vor.u32 v10, v8;
	v9 =	vadd.s32 v3, v18;
	v11 =	vor.u32 v1, v11;
	v24 =	vld [tilespmem:s1+$0x20]  }
0x197: {  	v10 =	vor.u32 v1, v8;
	v6 =	vor.u32 v6, v9;
	v9 =	vadd.s32 v3, v19;
	v25 =	vld [tilespmem:s1+$0xFFFFFFCE]  }
0x198: {  	v16 =	vadd.s32 v3, v16;
	v6 =	vor.u32 v1, v6;
	v7 =	vor.u32 v7, v9;
	v8 =	vld [tilespmem:s1+$0x10]  }
0x199: {  	v14 =	vadd.s32 v3, v14;
	v5 =	vor.u32 v5, v16;
	v7 =	vor.u32 v1, v7;
	v9 =	vld [tilespmem:s1+$0x0]  }
0x19a: {  	v4 =	vor.u32 v4, v14;
	v14 =	vor.u32 v1, v5;
	v3 =	vadd.s32 v3, v17;
	v13 =	vld.idx.msk [tilespmem:v13+s22+$0x0], $0xffff  }
0x19b: {  	v5 =	vmov s30;
	v17 =	vor.u32 v1, v4;
	v2 =	vor.u32 v2, v3;
	v16 =	vld.idx.msk [tilespmem:v11+s22+$0x0], $0xffff  }
0x19c: {  	v3 =	vshll.u32 v5, $0x7;
	v26 =	vld.idx.msk [tilespmem:v10+s22+$0x0], $0xffff;
	v10 =	vor.u32 v1, v2  }
0x19d: {  	v2 =	vshll.u32 v5, $0xB;
	v1 =	vand.u32 $0x380, v3;
	v27 =	vld.idx.msk [tilespmem:v6+s22+$0x0], $0xffff  }
0x19e: {  	v4 =	vand.u32 $0x7F, v20;
	v3 =	vand.u32 $0x4000, v2;
	v2 =	vand.u32 $0x7F, v12;
	v28 =	vld.idx.msk [tilespmem:v7+s22+$0x0], $0xffff  }
0x19f: {  	v18 =	vshll.u32 v12, $0x3;
	v5 =	vand.u32 $0x7F, v22;
	v6 =	vand.u32 $0x7F, v15;
	v11 =	vld.idx.msk [tilespmem:v14+s22+$0x0], $0xffff  }
.Ltmp4:
0x1a0: {  	v19 =	vshll.u32 v20, $0x3;
	v7 =	vand.u32 $0x7F, v24;
	v20 =	vadd.f32 $1.000000000e+00, v13;
	v12 =	vld.idx.msk [tilespmem:v17+s22+$0x0], $0xffff;
	(pc) =	sbr.rel @p0 .LBB2_10-.Ltmp4, $4  }
0x1a1: {  	v23 =	vshll.u32 v22, $0x3;
	v21 =	vshll.u32 v15, $0x3;
	v13 =	vand.u32 $0x7F, v25;
	v14 =	vld.idx.msk [tilespmem:v10+s22+$0x0], $0xffff  }
0x1a2: {  	v10 =	vand.u32 $0x7F, v8;
	v16 =	vsub.f32 v20, v16;
	v17 =	vadd.f32 $1.000000000e+00, v26  }
0x1a3: {  	v22 =	vshll.u32 v25, $0x3;
	v15 =	vand.u32 $0x7F, v9;
	v24 =	vshll.u32 v24, $0x3  }
0x1a4: {  	s30 =	sadd.s32 $0x1, s30;
	v20 =	vmax.f32 v16, $0.0e+00;
	v16 =	vsub.f32 v17, v27;
	v17 =	vadd.f32 $1.000000000e+00, v28  }
0x1a5: {  	v8 =	vshll.u32 v8, $0x3  }
0x1a6: {  	v9 =	vshll.u32 v9, $0x3;
	v18 =	vand.u32 $0xFFFFFC00, v18;
	v19 =	vand.u32 $0xFFFFFC00, v19  }
0x1a7: {  	v23 =	vand.u32 $0xFFFFFC00, v23;
	v21 =	vand.u32 $0xFFFFFC00, v21;
	v22 =	vand.u32 $0xFFFFFC00, v22  }
0x1a8: {  	v24 =	vand.u32 $0xFFFFFC00, v24;
	v9 =	vand.u32 $0xFFFFFC00, v9;
	v22 =	vadd.s32 v3, v22  }
0x1a9: {  	v8 =	vand.u32 $0xFFFFFC00, v8;
	v9 =	vadd.s32 v3, v9;
	v13 =	vor.u32 v13, v22  }
0x1aa: {  	v8 =	vadd.s32 v3, v8;
	v9 =	vor.u32 v15, v9;
	v13 =	vor.u32 v1, v13  }
0x1ab: {  	v15 =	vadd.s32 v3, v21;
	v8 =	vor.u32 v10, v8;
	v9 =	vor.u32 v1, v9  }
0x1ac: {  	v10 =	vadd.s32 v3, v24;
	v6 =	vor.u32 v6, v15;
	v8 =	vor.u32 v1, v8  }
0x1ad: {  	v7 =	vor.u32 v7, v10;
	v10 =	vadd.s32 v3, v23;
	v6 =	vor.u32 v1, v6  }
0x1ae: {  	v15 =	vadd.s32 v3, v19;
	v7 =	vor.u32 v1, v7;
	v5 =	vor.u32 v5, v10  }
0x1af: {  	v3 =	vadd.s32 v3, v18;
	v4 =	vor.u32 v4, v15;
	v5 =	vor.u32 v1, v5;
	v10 =	vld.idx.msk [tilespmem:v13+s22+$0x0], $0xffff  }
0x1b0: {  	v2 =	vor.u32 v2, v3;
	v4 =	vor.u32 v1, v4;
	v9 =	vld.idx.msk [tilespmem:v9+s22+$0x0], $0xffff  }
0x1b1: {  	v1 =	vor.u32 v1, v2;
	v3 =	vld.idx.msk [tilespmem:v8+s22+$0x0], $0xffff  }
0x1b2: {  	v2 =	vld.idx.msk [tilespmem:v6+s22+$0x0], $0xffff  }
0x1b3: {  	v6 =	vld.idx.msk [tilespmem:v7+s22+$0x0], $0xffff  }
0x1b4: {  	v5 =	vld.idx.msk [tilespmem:v5+s22+$0x0], $0xffff  }
0x1b5: {  	v4 =	vld.idx.msk [tilespmem:v4+s22+$0x0], $0xffff  }
0x1b6: {  	v1 =	vld.idx.msk [tilespmem:v1+s22+$0x0], $0xffff;
	_ =	swait.ge [sflag:s29], $0x8000  }
0x1b7: {  	v0 =	vadd.f32 v20, v0;
	v7 =	vadd.f32 $1.000000000e+00, v11;
	[sflag:s29] =	ssyncset.done $0x0  }
0x1b8: {  	v8 =	vmax.f32 v16, $0.0e+00;
	v11 =	vsub.f32 v17, v12;
	[sflag:s29] =	ssyncadd.s32 $0xFFFF8000  }
0x1b9: {  	v0 =	vadd.f32 v8, v0;
	v7 =	vsub.f32 v7, v14;
	_ =	swait.ge [sflag:s29], $0x800  }
0x1ba: {  	v8 =	vmax.f32 v11, $0.0e+00;
	v9 =	vadd.f32 $1.000000000e+00, v9;
	[sflag:s29] =	ssyncset.done $0x0  }
0x1bb: {  	s1 =	simm.s32 $0x0;
	v0 =	vadd.f32 v8, v0;
	v7 =	vmax.f32 v7, $0.0e+00;
	[sflag:s29] =	ssyncadd.s32 $0xFFFFF800  }
0x1bc: {  	v3 =	vadd.f32 $1.000000000e+00, v3;
	v7 =	vsel vm0, $0x0, v7;
	v8 =	vsub.f32 v9, v10;
	[tilespmem:s22], [sflag:$0x2] =	stream.linear.gather [hbm4b:s17+s1], $0x8000, $0x38;
	[tilespmem:$0x19880] =	vst v63  }
0x1bd: {  	s30 =	simm.s32 $0x19032;
	v0 =	vadd.f32 v7, v0  }
0x1be: {  	v2 =	vsub.f32 v3, v2;
	v3 =	vadd.f32 $1.000000000e+00, v6;
	v7 =	vmax.f32 v8, $0.0e+00;
	[tilespmem:s23], [sflag:$0x2] =	stream.linear.gather [hbm4b:s18+s1], $0x800, $0x38;
	[tilespmem:$0x19880] =	vst v63  }
0x1bf: {  	v5 =	vadd.f32 $1.000000000e+00, v5;
	v0 =	vadd.f32 v7, v0;
	v6 =	vld [tilespmem:s30+$0xFFFFFFF0]  }
0x1c0: {  	v2 =	vmax.f32 v2, $0.0e+00;
	v3 =	vsub.f32 v3, v4;
	v7 =	vld [tilespmem:s30+$0xFFFFFFEE]  }
0x1c1: {  	v1 =	vsub.f32 v5, v1;
	v4 =	vld [tilespmem:s30+$0x22];
	v0 =	vadd.f32 v2, v0  }
0x1c2: {  	v9 =	vmov s1;
	v3 =	vmax.f32 v3, $0.0e+00;
	v5 =	vld [tilespmem:s30+$0x20]  }
0x1c3: {  	v10 =	vshll.u32 v9, $0x7;
	v1 =	vmax.f32 v1, $0.0e+00;
	v8 =	vld [tilespmem:s30+$0x10];
	v0 =	vadd.f32 v3, v0  }
0x1c4: {  	v9 =	vshll.u32 v9, $0xB;
	v10 =	vand.u32 $0x380, v10;
	v2 =	vld [tilespmem:s30+$0xFFFFFFDE];
	v1 =	vsel vm0, $0x0, v1  }
0x1c5: {  	v11 =	vand.u32 $0x4000, v9;
	v0 =	vadd.f32 v1, v0;
	v1 =	vld [tilespmem:s30+$0x0];
	v12 =	vand.u32 $0x7F, v7  }
0x1c6: {  	v3 =	vld [tilespmem:s30+$0xFFFFFFCE];
	v13 =	vand.u32 $0x7F, v6;
	v6 =	vshll.u32 v6, $0x3;
	v14 =	vand.u32 $0x7F, v4  }
0x1c7: {  	v7 =	vshll.u32 v7, $0x3;
	v15 =	vand.u32 $0x7F, v5;
	v4 =	vshll.u32 v4, $0x3  }
0x1c8: {  	v17 =	vand.u32 $0x7F, v8;
	v5 =	vshll.u32 v5, $0x3;
	v8 =	vshll.u32 v8, $0x3  }
0x1c9: {  	v9 =	vand.u32 $0x7F, v2;
	v2 =	vshll.u32 v2, $0x3;
	v6 =	vand.u32 $0xFFFFFC00, v6  }
0x1ca: {  	v7 =	vand.u32 $0xFFFFFC00, v7;
	v18 =	vand.u32 $0x7F, v1;
	v1 =	vshll.u32 v1, $0x3  }
0x1cb: {  	s1 =	simm.s32 $0x190B2;
	v16 =	vand.u32 $0x7F, v3;
	v3 =	vshll.u32 v3, $0x3;
	v1 =	vand.u32 $0xFFFFFC00, v1  }
0x1cc: {  	v19 =	vld [tilespmem:s1+$0xFFFFFFF0];
	v4 =	vand.u32 $0xFFFFFC00, v4;
	v3 =	vand.u32 $0xFFFFFC00, v3;
	v1 =	vadd.s32 v11, v1  }
0x1cd: {  	v20 =	vld [tilespmem:s1+$0xFFFFFFEE];
	v8 =	vand.u32 $0xFFFFFC00, v8;
	v3 =	vadd.s32 v11, v3;
	v1 =	vor.u32 v18, v1  }
0x1ce: {  	v21 =	vld [tilespmem:s1+$0x22];
	v8 =	vadd.s32 v11, v8;
	v3 =	vor.u32 v16, v3;
	v1 =	vor.u32 v10, v1  }
0x1cf: {  	v22 =	vld [tilespmem:s1+$0x20];
	v2 =	vand.u32 $0xFFFFFC00, v2;
	v8 =	vor.u32 v17, v8;
	v3 =	vor.u32 v10, v3  }
0x1d0: {  	v24 =	vld [tilespmem:s1+$0xFFFFFFCE];
	v5 =	vand.u32 $0xFFFFFC00, v5;
	v2 =	vadd.s32 v11, v2;
	v16 =	vor.u32 v10, v8  }
0x1d1: {  	v5 =	vadd.s32 v11, v5;
	v4 =	vadd.s32 v11, v4;
	v2 =	vor.u32 v9, v2;
	v9 =	vld [tilespmem:s1+$0x0]  }
0x1d2: {  	v7 =	vadd.s32 v11, v7;
	v5 =	vor.u32 v15, v5;
	v2 =	vor.u32 v10, v2;
	v18 =	vld [tilespmem:s1+$0xFFFFFFDE]  }
0x1d3: {  	v4 =	vor.u32 v14, v4;
	v7 =	vor.u32 v12, v7;
	v5 =	vor.u32 v10, v5;
	v12 =	vld.idx.msk [tilespmem:v1+s25+$0x0], $0xffff  }
0x1d4: {  	v23 =	vshll.u32 v21, $0x3;
	v14 =	vor.u32 v10, v4;
	v15 =	vld.idx.msk [tilespmem:v3+s25+$0x0], $0xffff;
	v1 =	vadd.s32 v11, v6  }
0x1d5: {  	s30 =	simm.s32 $0x1;
	v17 =	vshll.u32 v20, $0x3;
	v25 =	vor.u32 v10, v7;
	v1 =	vor.u32 v13, v1;
	v13 =	vld.idx.msk [tilespmem:v16+s25+$0x0], $0xffff  }
0x1d6: {  	v4 =	vmov s30;
	v7 =	vand.u32 $0x7F, v22;
	v8 =	vld [tilespmem:s1+$0x10];
	v26 =	vor.u32 v10, v1  }
0x1d7: {  	v27 =	vld.idx.msk [tilespmem:v2+s25+$0x0], $0xffff;
	v2 =	vand.u32 $0x7F, v19;
	v3 =	vshll.u32 v4, $0x7;
	v4 =	vshll.u32 v4, $0xB  }
0x1d8: {  	v28 =	vld.idx.msk [tilespmem:v5+s25+$0x0], $0xffff;
	v6 =	vand.u32 $0x7F, v18;
	v16 =	vshll.u32 v19, $0x3;
	v19 =	vadd.f32 $1.000000000e+00, v12  }
0x1d9: {  	v1 =	vand.u32 $0x380, v3;
	v3 =	vand.u32 $0x4000, v4;
	v4 =	vand.u32 $0x7F, v20;
	v12 =	vld.idx.msk [tilespmem:v14+s25+$0x0], $0xffff  }
0x1da: {  	v20 =	vshll.u32 v18, $0x3;
	v18 =	vsub.f32 v19, v15;
	v19 =	vadd.f32 $1.000000000e+00, v13;
	v13 =	vld.idx.msk [tilespmem:v25+s25+$0x0], $0xffff  }
0x1db: {  	v5 =	vand.u32 $0x7F, v21;
	v21 =	vshll.u32 v24, $0x3;
	v11 =	vand.u32 $0x7F, v24;
	v14 =	vld.idx.msk [tilespmem:v26+s25+$0x0], $0xffff  }
0x1dc: {  	v24 =	vshll.u32 v22, $0x3;
	v10 =	vand.u32 $0x7F, v8;
	v15 =	vand.u32 $0x7F, v9  }
0x1dd: {  	s30 =	simm.s32 $0x2;
	v22 =	vmax.f32 v18, $0.0e+00;
	v18 =	vsub.f32 v19, v27;
	v19 =	vadd.f32 $1.000000000e+00, v28  }
.LBB2_12:
0x1de: {  	p0 =	sne.s32 s30, $0xF;
	v8 =	vshll.u32 v8, $0x3;
	v0 =	vadd.f32 v22, v0;
	v12 =	vadd.f32 $1.000000000e+00, v12  }
0x1df: {  	v9 =	vshll.u32 v9, $0x3;
	v18 =	vmax.f32 v18, $0.0e+00;
	v13 =	vsub.f32 v19, v13  }
0x1e0: {  	v16 =	vand.u32 $0xFFFFFC00, v16;
	v0 =	vadd.f32 v18, v0;
	v12 =	vsub.f32 v12, v14  }
0x1e1: {  	v14 =	vand.u32 $0xFFFFFC00, v17;
	v17 =	vand.u32 $0xFFFFFC00, v23;
	v13 =	vmax.f32 v13, $0.0e+00  }
0x1e2: {  	s1 =	sadd.s32 $0x80, s1;
	v18 =	vand.u32 $0xFFFFFC00, v20;
	v0 =	vadd.f32 v13, v0;
	v12 =	vmax.f32 v12, $0.0e+00  }
0x1e3: {  	v9 =	vand.u32 $0xFFFFFC00, v9;
	v19 =	vand.u32 $0xFFFFFC00, v24;
	v13 =	vld [tilespmem:s1+$0xFFFFFFF0];
	v12 =	vsel vm0, $0x0, v12  }
0x1e4: {  	v21 =	vand.u32 $0xFFFFFC00, v21;
	v9 =	vadd.s32 v3, v9;
	v20 =	vld [tilespmem:s1+$0xFFFFFFEE];
	v0 =	vadd.f32 v12, v0  }
0x1e5: {  	v8 =	vand.u32 $0xFFFFFC00, v8;
	v9 =	vor.u32 v15, v9;
	v12 =	vadd.s32 v3, v21;
	v22 =	vld [tilespmem:s1+$0x22]  }
0x1e6: {  	v8 =	vadd.s32 v3, v8;
	v11 =	vor.u32 v11, v12;
	v12 =	vor.u32 v1, v9;
	v15 =	vld [tilespmem:s1+$0xFFFFFFDE]  }
0x1e7: {  	v8 =	vor.u32 v10, v8;
	v9 =	vadd.s32 v3, v18;
	v11 =	vor.u32 v1, v11;
	v24 =	vld [tilespmem:s1+$0x20]  }
0x1e8: {  	v10 =	vor.u32 v1, v8;
	v6 =	vor.u32 v6, v9;
	v9 =	vadd.s32 v3, v19;
	v18 =	vld [tilespmem:s1+$0xFFFFFFCE]  }
0x1e9: {  	v17 =	vadd.s32 v3, v17;
	v6 =	vor.u32 v1, v6;
	v7 =	vor.u32 v7, v9;
	v8 =	vld [tilespmem:s1+$0x10]  }
0x1ea: {  	v14 =	vadd.s32 v3, v14;
	v5 =	vor.u32 v5, v17;
	v7 =	vor.u32 v1, v7;
	v9 =	vld [tilespmem:s1+$0x0]  }
0x1eb: {  	v4 =	vor.u32 v4, v14;
	v3 =	vadd.s32 v3, v16;
	v19 =	vld.idx.msk [tilespmem:v12+s25+$0x0], $0xffff;
	v12 =	vor.u32 v1, v5  }
0x1ec: {  	v2 =	vor.u32 v2, v3;
	v5 =	vmov s30;
	v21 =	vld.idx.msk [tilespmem:v11+s25+$0x0], $0xffff;
	v11 =	vor.u32 v1, v4  }
0x1ed: {  	v3 =	vshll.u32 v5, $0x7;
	v25 =	vld.idx.msk [tilespmem:v10+s25+$0x0], $0xffff;
	v10 =	vor.u32 v1, v2  }
0x1ee: {  	v2 =	vshll.u32 v5, $0xB;
	v1 =	vand.u32 $0x380, v3;
	v26 =	vld.idx.msk [tilespmem:v6+s25+$0x0], $0xffff  }
0x1ef: {  	v4 =	vand.u32 $0x7F, v20;
	v3 =	vand.u32 $0x4000, v2;
	v2 =	vand.u32 $0x7F, v13;
	v27 =	vld.idx.msk [tilespmem:v7+s25+$0x0], $0xffff  }
0x1f0: {  	v16 =	vshll.u32 v13, $0x3;
	v5 =	vand.u32 $0x7F, v22;
	v6 =	vand.u32 $0x7F, v15;
	v12 =	vld.idx.msk [tilespmem:v12+s25+$0x0], $0xffff  }
.Ltmp5:
0x1f1: {  	v17 =	vshll.u32 v20, $0x3;
	v7 =	vand.u32 $0x7F, v24;
	v19 =	vadd.f32 $1.000000000e+00, v19;
	v13 =	vld.idx.msk [tilespmem:v11+s25+$0x0], $0xffff;
	(pc) =	sbr.rel @p0 .LBB2_12-.Ltmp5, $4  }
0x1f2: {  	v23 =	vshll.u32 v22, $0x3;
	v20 =	vshll.u32 v15, $0x3;
	v11 =	vand.u32 $0x7F, v18;
	v14 =	vld.idx.msk [tilespmem:v10+s25+$0x0], $0xffff  }
0x1f3: {  	v10 =	vand.u32 $0x7F, v8;
	v19 =	vsub.f32 v19, v21;
	v25 =	vadd.f32 $1.000000000e+00, v25  }
0x1f4: {  	v15 =	vand.u32 $0x7F, v9;
	v24 =	vshll.u32 v24, $0x3;
	v21 =	vshll.u32 v18, $0x3  }
0x1f5: {  	s30 =	sadd.s32 $0x1, s30;
	v22 =	vmax.f32 v19, $0.0e+00;
	v18 =	vsub.f32 v25, v26;
	v19 =	vadd.f32 $1.000000000e+00, v27  }
0x1f6: {  	v8 =	vshll.u32 v8, $0x3  }
0x1f7: {  	v9 =	vshll.u32 v9, $0x3;
	v16 =	vand.u32 $0xFFFFFC00, v16;
	v17 =	vand.u32 $0xFFFFFC00, v17  }
0x1f8: {  	v23 =	vand.u32 $0xFFFFFC00, v23;
	v20 =	vand.u32 $0xFFFFFC00, v20;
	v21 =	vand.u32 $0xFFFFFC00, v21  }
0x1f9: {  	v24 =	vand.u32 $0xFFFFFC00, v24;
	v9 =	vand.u32 $0xFFFFFC00, v9;
	v21 =	vadd.s32 v3, v21  }
0x1fa: {  	v8 =	vand.u32 $0xFFFFFC00, v8;
	v9 =	vadd.s32 v3, v9;
	v11 =	vor.u32 v11, v21  }
0x1fb: {  	v8 =	vadd.s32 v3, v8;
	v9 =	vor.u32 v15, v9;
	v11 =	vor.u32 v1, v11  }
0x1fc: {  	v15 =	vadd.s32 v3, v20;
	v8 =	vor.u32 v10, v8;
	v9 =	vor.u32 v1, v9  }
0x1fd: {  	v10 =	vadd.s32 v3, v24;
	v6 =	vor.u32 v6, v15;
	v8 =	vor.u32 v1, v8  }
0x1fe: {  	v7 =	vor.u32 v7, v10;
	v10 =	vadd.s32 v3, v23;
	v6 =	vor.u32 v1, v6  }
0x1ff: {  	v15 =	vadd.s32 v3, v17;
	v7 =	vor.u32 v1, v7;
	v5 =	vor.u32 v5, v10  }
0x200: {  	v3 =	vadd.s32 v3, v16;
	v4 =	vor.u32 v4, v15;
	v5 =	vor.u32 v1, v5;
	v10 =	vld.idx.msk [tilespmem:v11+s25+$0x0], $0xffff  }
0x201: {  	v2 =	vor.u32 v2, v3;
	v4 =	vor.u32 v1, v4;
	v9 =	vld.idx.msk [tilespmem:v9+s25+$0x0], $0xffff  }
0x202: {  	v1 =	vor.u32 v1, v2;
	v3 =	vld.idx.msk [tilespmem:v8+s25+$0x0], $0xffff  }
0x203: {  	v2 =	vld.idx.msk [tilespmem:v6+s25+$0x0], $0xffff  }
0x204: {  	v6 =	vld.idx.msk [tilespmem:v7+s25+$0x0], $0xffff  }
0x205: {  	v0 =	vadd.f32 v22, v0;
	v7 =	vadd.f32 $1.000000000e+00, v12;
	v5 =	vld.idx.msk [tilespmem:v5+s25+$0x0], $0xffff  }
0x206: {  	v11 =	vsub.f32 v19, v13;
	v8 =	vmax.f32 v18, $0.0e+00;
	v4 =	vld.idx.msk [tilespmem:v4+s25+$0x0], $0xffff  }
0x207: {  	v0 =	vadd.f32 v8, v0;
	v1 =	vld.idx.msk [tilespmem:v1+s25+$0x0], $0xffff;
	_ =	swait.ge [sflag:s24], $0x8000;
	v7 =	vsub.f32 v7, v14  }
0x208: {  	v8 =	vmax.f32 v11, $0.0e+00;
	[sflag:s24] =	ssyncset.done $0x0;
	v9 =	vadd.f32 $1.000000000e+00, v9  }
0x209: {  	v0 =	vadd.f32 v8, v0;
	[sflag:s24] =	ssyncadd.s32 $0xFFFF8000;
	v7 =	vmax.f32 v7, $0.0e+00  }
0x20a: {  	_ =	swait.ge [sflag:s24], $0x800;
	v3 =	vadd.f32 $1.000000000e+00, v3;
	v7 =	vsel vm0, $0x0, v7;
	v8 =	vsub.f32 v9, v10  }
0x20b: {  	[sflag:s24] =	ssyncset.done $0x0;
	v0 =	vadd.f32 v7, v0  }
0x20c: {  	s1 =	simm.s32 $0x18032;
	[sflag:s24] =	ssyncadd.s32 $0xFFFFF800;
	v2 =	vsub.f32 v3, v2;
	v3 =	vadd.f32 $1.000000000e+00, v6;
	v7 =	vmax.f32 v8, $0.0e+00  }
0x20d: {  	v5 =	vadd.f32 $1.000000000e+00, v5;
	v6 =	vld [tilespmem:s1+$0xFFFFFFF0];
	v0 =	vadd.f32 v7, v0  }
0x20e: {  	v2 =	vmax.f32 v2, $0.0e+00;
	v3 =	vsub.f32 v3, v4;
	v4 =	vld [tilespmem:s1+$0x22]  }
0x20f: {  	s30 =	simm.s32 $0x0;
	v1 =	vsub.f32 v5, v1;
	v5 =	vld [tilespmem:s1+$0x20];
	v0 =	vadd.f32 v2, v0  }
0x210: {  	v9 =	vmov s30;
	v8 =	vld [tilespmem:s1+$0x10];
	v3 =	vmax.f32 v3, $0.0e+00  }
0x211: {  	v10 =	vshll.u32 v9, $0x7;
	v7 =	vld [tilespmem:s1+$0xFFFFFFEE];
	v1 =	vmax.f32 v1, $0.0e+00;
	v0 =	vadd.f32 v3, v0  }
0x212: {  	v9 =	vshll.u32 v9, $0xB;
	v10 =	vand.u32 $0x380, v10;
	v1 =	vsel vm0, $0x0, v1  }
0x213: {  	v11 =	vand.u32 $0x4000, v9;
	v13 =	vand.u32 $0x7F, v6;
	v0 =	vadd.f32 v1, v0;
	v1 =	vld [tilespmem:s1+$0x0]  }
0x214: {  	v6 =	vshll.u32 v6, $0x3;
	v3 =	vld [tilespmem:s1+$0xFFFFFFCE];
	v14 =	vand.u32 $0x7F, v4;
	v15 =	vand.u32 $0x7F, v5  }
0x215: {  	v4 =	vshll.u32 v4, $0x3;
	v17 =	vand.u32 $0x7F, v8;
	v5 =	vshll.u32 v5, $0x3  }
0x216: {  	v2 =	vld [tilespmem:s1+$0xFFFFFFDE];
	v8 =	vshll.u32 v8, $0x3;
	v6 =	vand.u32 $0xFFFFFC00, v6;
	v12 =	vand.u32 $0x7F, v7  }
0x217: {  	v7 =	vshll.u32 v7, $0x3;
	v4 =	vand.u32 $0xFFFFFC00, v4;
	v5 =	vand.u32 $0xFFFFFC00, v5  }
0x218: {  	v8 =	vand.u32 $0xFFFFFC00, v8;
	v18 =	vand.u32 $0x7F, v1;
	v1 =	vshll.u32 v1, $0x3  }
0x219: {  	s1 =	simm.s32 $0x180B2;
	v16 =	vand.u32 $0x7F, v3;
	v3 =	vshll.u32 v3, $0x3;
	v1 =	vand.u32 $0xFFFFFC00, v1  }
0x21a: {  	v8 =	vadd.s32 v11, v8;
	v19 =	vld [tilespmem:s1+$0xFFFFFFF0];
	v3 =	vand.u32 $0xFFFFFC00, v3;
	v1 =	vadd.s32 v11, v1  }
0x21b: {  	v9 =	vand.u32 $0x7F, v2;
	v20 =	vld [tilespmem:s1+$0xFFFFFFEE];
	v3 =	vadd.s32 v11, v3;
	v1 =	vor.u32 v18, v1  }
0x21c: {  	v2 =	vshll.u32 v2, $0x3;
	v21 =	vld [tilespmem:s1+$0x22];
	v3 =	vor.u32 v16, v3;
	v1 =	vor.u32 v10, v1  }
0x21d: {  	v22 =	vld [tilespmem:s1+$0x20];
	v8 =	vor.u32 v17, v8;
	v2 =	vand.u32 $0xFFFFFC00, v2;
	v3 =	vor.u32 v10, v3  }
0x21e: {  	v7 =	vand.u32 $0xFFFFFC00, v7;
	v24 =	vld [tilespmem:s1+$0xFFFFFFCE];
	v2 =	vadd.s32 v11, v2;
	v16 =	vor.u32 v10, v8  }
0x21f: {  	v5 =	vadd.s32 v11, v5;
	v4 =	vadd.s32 v11, v4;
	v2 =	vor.u32 v9, v2;
	v9 =	vld [tilespmem:s1+$0x0]  }
0x220: {  	v5 =	vor.u32 v15, v5;
	v7 =	vadd.s32 v11, v7;
	v2 =	vor.u32 v10, v2;
	v18 =	vld [tilespmem:s1+$0xFFFFFFDE]  }
0x221: {  	s30 =	simm.s32 $0x1;
	v4 =	vor.u32 v14, v4;
	v5 =	vor.u32 v10, v5;
	v7 =	vor.u32 v12, v7;
	v12 =	vld.idx.msk [tilespmem:v1+s2+$0x0], $0xffff  }
0x222: {  	v14 =	vor.u32 v10, v4;
	v4 =	vmov s30;
	v15 =	vld.idx.msk [tilespmem:v3+s2+$0x0], $0xffff;
	v1 =	vadd.s32 v11, v6  }
0x223: {  	v25 =	vor.u32 v10, v7;
	v17 =	vshll.u32 v20, $0x3;
	v1 =	vor.u32 v13, v1;
	v13 =	vld.idx.msk [tilespmem:v16+s2+$0x0], $0xffff  }
0x224: {  	v8 =	vld [tilespmem:s1+$0x10];
	v7 =	vand.u32 $0x7F, v22;
	v23 =	vshll.u32 v21, $0x3;
	v26 =	vor.u32 v10, v1  }
0x225: {  	v27 =	vld.idx.msk [tilespmem:v2+s2+$0x0], $0xffff;
	v2 =	vand.u32 $0x7F, v19;
	v3 =	vshll.u32 v4, $0x7;
	v4 =	vshll.u32 v4, $0xB  }
0x226: {  	v28 =	vld.idx.msk [tilespmem:v5+s2+$0x0], $0xffff;
	v6 =	vand.u32 $0x7F, v18;
	v16 =	vshll.u32 v19, $0x3;
	v19 =	vadd.f32 $1.000000000e+00, v12  }
0x227: {  	v1 =	vand.u32 $0x380, v3;
	v3 =	vand.u32 $0x4000, v4;
	v4 =	vand.u32 $0x7F, v20;
	v12 =	vld.idx.msk [tilespmem:v14+s2+$0x0], $0xffff  }
0x228: {  	v20 =	vshll.u32 v18, $0x3;
	v18 =	vsub.f32 v19, v15;
	v19 =	vadd.f32 $1.000000000e+00, v13;
	v13 =	vld.idx.msk [tilespmem:v25+s2+$0x0], $0xffff  }
0x229: {  	v5 =	vand.u32 $0x7F, v21;
	v21 =	vshll.u32 v24, $0x3;
	v11 =	vand.u32 $0x7F, v24;
	v14 =	vld.idx.msk [tilespmem:v26+s2+$0x0], $0xffff  }
0x22a: {  	v24 =	vshll.u32 v22, $0x3;
	v10 =	vand.u32 $0x7F, v8;
	v15 =	vand.u32 $0x7F, v9  }
0x22b: {  	s30 =	simm.s32 $0x2;
	v22 =	vmax.f32 v18, $0.0e+00;
	v18 =	vsub.f32 v19, v27;
	v19 =	vadd.f32 $1.000000000e+00, v28  }
.LBB2_14:
0x22c: {  	p0 =	sne.s32 s30, $0xF;
	v8 =	vshll.u32 v8, $0x3;
	v0 =	vadd.f32 v22, v0;
	v12 =	vadd.f32 $1.000000000e+00, v12  }
0x22d: {  	v9 =	vshll.u32 v9, $0x3;
	v18 =	vmax.f32 v18, $0.0e+00;
	v13 =	vsub.f32 v19, v13  }
0x22e: {  	v16 =	vand.u32 $0xFFFFFC00, v16;
	v0 =	vadd.f32 v18, v0;
	v12 =	vsub.f32 v12, v14  }
0x22f: {  	v14 =	vand.u32 $0xFFFFFC00, v17;
	v17 =	vand.u32 $0xFFFFFC00, v23;
	v13 =	vmax.f32 v13, $0.0e+00  }
0x230: {  	s1 =	sadd.s32 $0x80, s1;
	v18 =	vand.u32 $0xFFFFFC00, v20;
	v0 =	vadd.f32 v13, v0;
	v12 =	vmax.f32 v12, $0.0e+00  }
0x231: {  	v9 =	vand.u32 $0xFFFFFC00, v9;
	v19 =	vand.u32 $0xFFFFFC00, v24;
	v13 =	vld [tilespmem:s1+$0xFFFFFFF0];
	v12 =	vsel vm0, $0x0, v12  }
0x232: {  	v21 =	vand.u32 $0xFFFFFC00, v21;
	v9 =	vadd.s32 v3, v9;
	v20 =	vld [tilespmem:s1+$0xFFFFFFEE];
	v0 =	vadd.f32 v12, v0  }
0x233: {  	v8 =	vand.u32 $0xFFFFFC00, v8;
	v9 =	vor.u32 v15, v9;
	v12 =	vadd.s32 v3, v21;
	v22 =	vld [tilespmem:s1+$0x22]  }
0x234: {  	v8 =	vadd.s32 v3, v8;
	v11 =	vor.u32 v11, v12;
	v12 =	vor.u32 v1, v9;
	v15 =	vld [tilespmem:s1+$0xFFFFFFDE]  }
0x235: {  	v8 =	vor.u32 v10, v8;
	v9 =	vadd.s32 v3, v18;
	v11 =	vor.u32 v1, v11;
	v24 =	vld [tilespmem:s1+$0x20]  }
0x236: {  	v10 =	vor.u32 v1, v8;
	v6 =	vor.u32 v6, v9;
	v9 =	vadd.s32 v3, v19;
	v18 =	vld [tilespmem:s1+$0xFFFFFFCE]  }
0x237: {  	v17 =	vadd.s32 v3, v17;
	v6 =	vor.u32 v1, v6;
	v7 =	vor.u32 v7, v9;
	v8 =	vld [tilespmem:s1+$0x10]  }
0x238: {  	v14 =	vadd.s32 v3, v14;
	v5 =	vor.u32 v5, v17;
	v7 =	vor.u32 v1, v7;
	v9 =	vld [tilespmem:s1+$0x0]  }
0x239: {  	v4 =	vor.u32 v4, v14;
	v3 =	vadd.s32 v3, v16;
	v19 =	vld.idx.msk [tilespmem:v12+s2+$0x0], $0xffff;
	v12 =	vor.u32 v1, v5  }
0x23a: {  	v2 =	vor.u32 v2, v3;
	v5 =	vmov s30;
	v21 =	vld.idx.msk [tilespmem:v11+s2+$0x0], $0xffff;
	v11 =	vor.u32 v1, v4  }
0x23b: {  	v3 =	vshll.u32 v5, $0x7;
	v25 =	vld.idx.msk [tilespmem:v10+s2+$0x0], $0xffff;
	v10 =	vor.u32 v1, v2  }
0x23c: {  	v2 =	vshll.u32 v5, $0xB;
	v1 =	vand.u32 $0x380, v3;
	v26 =	vld.idx.msk [tilespmem:v6+s2+$0x0], $0xffff  }
0x23d: {  	v4 =	vand.u32 $0x7F, v20;
	v3 =	vand.u32 $0x4000, v2;
	v2 =	vand.u32 $0x7F, v13;
	v27 =	vld.idx.msk [tilespmem:v7+s2+$0x0], $0xffff  }
0x23e: {  	v16 =	vshll.u32 v13, $0x3;
	v5 =	vand.u32 $0x7F, v22;
	v6 =	vand.u32 $0x7F, v15;
	v12 =	vld.idx.msk [tilespmem:v12+s2+$0x0], $0xffff  }
.Ltmp6:
0x23f: {  	v17 =	vshll.u32 v20, $0x3;
	v7 =	vand.u32 $0x7F, v24;
	v19 =	vadd.f32 $1.000000000e+00, v19;
	v13 =	vld.idx.msk [tilespmem:v11+s2+$0x0], $0xffff;
	(pc) =	sbr.rel @p0 .LBB2_14-.Ltmp6, $4  }
0x240: {  	v23 =	vshll.u32 v22, $0x3;
	v20 =	vshll.u32 v15, $0x3;
	v11 =	vand.u32 $0x7F, v18;
	v14 =	vld.idx.msk [tilespmem:v10+s2+$0x0], $0xffff  }
0x241: {  	v10 =	vand.u32 $0x7F, v8;
	v19 =	vsub.f32 v19, v21;
	v25 =	vadd.f32 $1.000000000e+00, v25  }
0x242: {  	v15 =	vand.u32 $0x7F, v9;
	v24 =	vshll.u32 v24, $0x3;
	v21 =	vshll.u32 v18, $0x3  }
0x243: {  	s30 =	sadd.s32 $0x1, s30;
	v22 =	vmax.f32 v19, $0.0e+00;
	v18 =	vsub.f32 v25, v26;
	v19 =	vadd.f32 $1.000000000e+00, v27  }
0x244: {  	v8 =	vshll.u32 v8, $0x3  }
0x245: {  	v9 =	vshll.u32 v9, $0x3;
	v16 =	vand.u32 $0xFFFFFC00, v16;
	v17 =	vand.u32 $0xFFFFFC00, v17  }
0x246: {  	v23 =	vand.u32 $0xFFFFFC00, v23;
	v20 =	vand.u32 $0xFFFFFC00, v20;
	v21 =	vand.u32 $0xFFFFFC00, v21  }
0x247: {  	v24 =	vand.u32 $0xFFFFFC00, v24;
	v9 =	vand.u32 $0xFFFFFC00, v9;
	v21 =	vadd.s32 v3, v21  }
0x248: {  	v8 =	vand.u32 $0xFFFFFC00, v8;
	v9 =	vadd.s32 v3, v9;
	v11 =	vor.u32 v11, v21  }
0x249: {  	v8 =	vadd.s32 v3, v8;
	v9 =	vor.u32 v15, v9;
	v11 =	vor.u32 v1, v11  }
0x24a: {  	v15 =	vadd.s32 v3, v20;
	v8 =	vor.u32 v10, v8;
	v9 =	vor.u32 v1, v9  }
0x24b: {  	v10 =	vadd.s32 v3, v24;
	v6 =	vor.u32 v6, v15;
	v8 =	vor.u32 v1, v8  }
0x24c: {  	v7 =	vor.u32 v7, v10;
	v10 =	vadd.s32 v3, v23;
	v6 =	vor.u32 v1, v6  }
0x24d: {  	v15 =	vadd.s32 v3, v17;
	v7 =	vor.u32 v1, v7;
	v5 =	vor.u32 v5, v10  }
0x24e: {  	v3 =	vadd.s32 v3, v16;
	v4 =	vor.u32 v4, v15;
	v5 =	vor.u32 v1, v5;
	v10 =	vld.idx.msk [tilespmem:v11+s2+$0x0], $0xffff  }
0x24f: {  	v2 =	vor.u32 v2, v3;
	v4 =	vor.u32 v1, v4;
	v9 =	vld.idx.msk [tilespmem:v9+s2+$0x0], $0xffff  }
0x250: {  	v1 =	vor.u32 v1, v2;
	v3 =	vld.idx.msk [tilespmem:v8+s2+$0x0], $0xffff  }
0x251: {  	v2 =	vld.idx.msk [tilespmem:v6+s2+$0x0], $0xffff  }
0x252: {  	v6 =	vld.idx.msk [tilespmem:v7+s2+$0x0], $0xffff  }
0x253: {  	v0 =	vadd.f32 v22, v0;
	v7 =	vadd.f32 $1.000000000e+00, v12;
	v5 =	vld.idx.msk [tilespmem:v5+s2+$0x0], $0xffff  }
0x254: {  	v11 =	vsub.f32 v19, v13;
	v8 =	vmax.f32 v18, $0.0e+00;
	v4 =	vld.idx.msk [tilespmem:v4+s2+$0x0], $0xffff  }
0x255: {  	v0 =	vadd.f32 v8, v0;
	v1 =	vld.idx.msk [tilespmem:v1+s2+$0x0], $0xffff;
	_ =	swait.ge [sflag:s28], $0x8000;
	v7 =	vsub.f32 v7, v14  }
0x256: {  	v8 =	vmax.f32 v11, $0.0e+00;
	[sflag:s28] =	ssyncset.done $0x0  }
0x257: {  	v0 =	vadd.f32 v8, v0;
	[sflag:s28] =	ssyncadd.s32 $0xFFFF8000;
	v9 =	vadd.f32 $1.000000000e+00, v9;
	v7 =	vmax.f32 v7, $0.0e+00  }
0x258: {  	_ =	swait.ge [sflag:s28], $0x800;
	v3 =	vadd.f32 $1.000000000e+00, v3;
	v7 =	vsel vm0, $0x0, v7  }
0x259: {  	[sflag:s28] =	ssyncset.done $0x0;
	v8 =	vsub.f32 v9, v10;
	v0 =	vadd.f32 v7, v0  }
0x25a: {  	s1 =	simm.s32 $0x18832;
	[sflag:s28] =	ssyncadd.s32 $0xFFFFF800;
	v2 =	vsub.f32 v3, v2;
	v3 =	vadd.f32 $1.000000000e+00, v6  }
0x25b: {  	v5 =	vadd.f32 $1.000000000e+00, v5;
	v6 =	vld [tilespmem:s1+$0xFFFFFFF0];
	v7 =	vmax.f32 v8, $0.0e+00  }
0x25c: {  	s30 =	simm.s32 $0x0;
	v3 =	vsub.f32 v3, v4;
	v4 =	vld [tilespmem:s1+$0x22];
	v0 =	vadd.f32 v7, v0  }
0x25d: {  	v9 =	vmov s30;
	v2 =	vmax.f32 v2, $0.0e+00;
	v1 =	vsub.f32 v5, v1;
	v5 =	vld [tilespmem:s1+$0x20]  }
0x25e: {  	v10 =	vshll.u32 v9, $0x7;
	v8 =	vld [tilespmem:s1+$0x10];
	v0 =	vadd.f32 v2, v0  }
0x25f: {  	v9 =	vshll.u32 v9, $0xB;
	v10 =	vand.u32 $0x380, v10;
	v7 =	vld [tilespmem:s1+$0xFFFFFFEE];
	v3 =	vmax.f32 v3, $0.0e+00  }
0x260: {  	v11 =	vand.u32 $0x4000, v9;
	v1 =	vmax.f32 v1, $0.0e+00;
	v0 =	vadd.f32 v3, v0  }
0x261: {  	v2 =	vld [tilespmem:s1+$0xFFFFFFDE];
	v1 =	vsel vm0, $0x0, v1;
	v13 =	vand.u32 $0x7F, v6;
	v6 =	vshll.u32 v6, $0x3  }
0x262: {  	v14 =	vand.u32 $0x7F, v4;
	v15 =	vand.u32 $0x7F, v5;
	v0 =	vadd.f32 v1, v0;
	v1 =	vld [tilespmem:s1+$0x0]  }
0x263: {  	v4 =	vshll.u32 v4, $0x3;
	v17 =	vand.u32 $0x7F, v8;
	v8 =	vshll.u32 v8, $0x3  }
0x264: {  	v3 =	vld [tilespmem:s1+$0xFFFFFFCE];
	v5 =	vshll.u32 v5, $0x3;
	v12 =	vand.u32 $0x7F, v7;
	v8 =	vand.u32 $0xFFFFFC00, v8  }
0x265: {  	v7 =	vshll.u32 v7, $0x3;
	v5 =	vand.u32 $0xFFFFFC00, v5;
	v8 =	vadd.s32 v11, v8  }
0x266: {  	s1 =	simm.s32 $0x188B2;
	v5 =	vadd.s32 v11, v5;
	v9 =	vand.u32 $0x7F, v2;
	v2 =	vshll.u32 v2, $0x3  }
0x267: {  	v19 =	vld [tilespmem:s1+$0xFFFFFFF0];
	v5 =	vor.u32 v15, v5;
	v18 =	vand.u32 $0x7F, v1;
	v1 =	vshll.u32 v1, $0x3  }
0x268: {  	v20 =	vld [tilespmem:s1+$0xFFFFFFEE];
	v8 =	vor.u32 v17, v8;
	v5 =	vor.u32 v10, v5;
	v1 =	vand.u32 $0xFFFFFC00, v1  }
0x269: {  	v21 =	vld [tilespmem:s1+$0x22];
	v16 =	vand.u32 $0x7F, v3;
	v3 =	vshll.u32 v3, $0x3;
	v1 =	vadd.s32 v11, v1  }
0x26a: {  	v23 =	vld [tilespmem:s1+$0x20];
	v2 =	vand.u32 $0xFFFFFC00, v2;
	v3 =	vand.u32 $0xFFFFFC00, v3;
	v1 =	vor.u32 v18, v1  }
0x26b: {  	v24 =	vld [tilespmem:s1+$0xFFFFFFCE];
	v2 =	vadd.s32 v11, v2;
	v3 =	vadd.s32 v11, v3;
	v1 =	vor.u32 v10, v1  }
0x26c: {  	v2 =	vor.u32 v9, v2;
	v9 =	vld [tilespmem:s1+$0x0];
	v3 =	vor.u32 v16, v3;
	v16 =	vor.u32 v10, v8  }
0x26d: {  	v4 =	vand.u32 $0xFFFFFC00, v4;
	v7 =	vand.u32 $0xFFFFFC00, v7;
	v8 =	vld [tilespmem:s1+$0x10];
	v3 =	vor.u32 v10, v3  }
0x26e: {  	v4 =	vadd.s32 v11, v4;
	v7 =	vadd.s32 v11, v7;
	v2 =	vor.u32 v10, v2;
	v28 =	vld.idx.msk [tilespmem:v5+s22+$0x0], $0xffff  }
0x26f: {  	s30 =	simm.s32 $0x1;
	v6 =	vand.u32 $0xFFFFFC00, v6;
	v4 =	vor.u32 v14, v4;
	v7 =	vor.u32 v12, v7;
	v18 =	vld [tilespmem:s1+$0xFFFFFFDE]  }
0x270: {  	v14 =	vor.u32 v10, v4;
	v4 =	vmov s30;
	v12 =	vld.idx.msk [tilespmem:v1+s22+$0x0], $0xffff;
	v1 =	vadd.s32 v11, v6  }
0x271: {  	v25 =	vor.u32 v10, v7;
	v17 =	vshll.u32 v20, $0x3;
	v1 =	vor.u32 v13, v1;
	v13 =	vld.idx.msk [tilespmem:v16+s22+$0x0], $0xffff  }
0x272: {  	v7 =	vand.u32 $0x7F, v23;
	v22 =	vshll.u32 v21, $0x3;
	v15 =	vld.idx.msk [tilespmem:v3+s22+$0x0], $0xffff;
	v26 =	vor.u32 v10, v1  }
0x273: {  	v5 =	vand.u32 $0x7F, v21;
	v27 =	vld.idx.msk [tilespmem:v2+s22+$0x0], $0xffff;
	v2 =	vand.u32 $0x7F, v19;
	v3 =	vshll.u32 v4, $0x7  }
0x274: {  	v4 =	vshll.u32 v4, $0xB;
	v6 =	vand.u32 $0x7F, v18;
	v11 =	vand.u32 $0x7F, v24  }
0x275: {  	v18 =	vshll.u32 v18, $0x3;
	v16 =	vshll.u32 v19, $0x3;
	v19 =	vadd.f32 $1.000000000e+00, v12;
	v12 =	vld.idx.msk [tilespmem:v14+s22+$0x0], $0xffff  }
0x276: {  	v1 =	vand.u32 $0x380, v3;
	v3 =	vand.u32 $0x4000, v4;
	v21 =	vadd.f32 $1.000000000e+00, v13;
	v13 =	vld.idx.msk [tilespmem:v25+s22+$0x0], $0xffff  }
0x277: {  	v4 =	vand.u32 $0x7F, v20;
	v10 =	vand.u32 $0x7F, v8;
	v20 =	vsub.f32 v19, v15;
	v14 =	vld.idx.msk [tilespmem:v26+s22+$0x0], $0xffff  }
0x278: {  	v19 =	vshll.u32 v24, $0x3;
	v15 =	vand.u32 $0x7F, v9;
	v24 =	vshll.u32 v23, $0x3  }
0x279: {  	s30 =	simm.s32 $0x2;
	v23 =	vmax.f32 v20, $0.0e+00;
	v20 =	vsub.f32 v21, v27;
	v21 =	vadd.f32 $1.000000000e+00, v28  }
.LBB2_16:
0x27a: {  	p0 =	sne.s32 s30, $0xF;
	v8 =	vshll.u32 v8, $0x3;
	v0 =	vadd.f32 v23, v0;
	v12 =	vadd.f32 $1.000000000e+00, v12  }
0x27b: {  	v9 =	vshll.u32 v9, $0x3;
	v20 =	vmax.f32 v20, $0.0e+00;
	v13 =	vsub.f32 v21, v13  }
0x27c: {  	v16 =	vand.u32 $0xFFFFFC00, v16;
	v0 =	vadd.f32 v20, v0;
	v12 =	vsub.f32 v12, v14  }
0x27d: {  	v14 =	vand.u32 $0xFFFFFC00, v17;
	v17 =	vand.u32 $0xFFFFFC00, v22;
	v13 =	vmax.f32 v13, $0.0e+00  }
0x27e: {  	v18 =	vand.u32 $0xFFFFFC00, v18;
	s1 =	sadd.s32 $0x80, s1;
	v0 =	vadd.f32 v13, v0;
	v12 =	vmax.f32 v12, $0.0e+00  }
0x27f: {  	v9 =	vand.u32 $0xFFFFFC00, v9;
	v20 =	vand.u32 $0xFFFFFC00, v24;
	v13 =	vld [tilespmem:s1+$0xFFFFFFF0];
	v12 =	vsel vm0, $0x0, v12  }
0x280: {  	v19 =	vand.u32 $0xFFFFFC00, v19;
	v9 =	vadd.s32 v3, v9;
	v21 =	vld [tilespmem:s1+$0xFFFFFFEE];
	v0 =	vadd.f32 v12, v0  }
0x281: {  	v8 =	vand.u32 $0xFFFFFC00, v8;
	v9 =	vor.u32 v15, v9;
	v12 =	vadd.s32 v3, v19;
	v22 =	vld [tilespmem:s1+$0x22]  }
0x282: {  	v8 =	vadd.s32 v3, v8;
	v11 =	vor.u32 v11, v12;
	v12 =	vor.u32 v1, v9;
	v15 =	vld [tilespmem:s1+$0xFFFFFFDE]  }
0x283: {  	v8 =	vor.u32 v10, v8;
	v9 =	vadd.s32 v3, v18;
	v11 =	vor.u32 v1, v11;
	v23 =	vld [tilespmem:s1+$0x20]  }
0x284: {  	v10 =	vor.u32 v1, v8;
	v6 =	vor.u32 v6, v9;
	v9 =	vadd.s32 v3, v20;
	v19 =	vld [tilespmem:s1+$0xFFFFFFCE]  }
0x285: {  	v17 =	vadd.s32 v3, v17;
	v6 =	vor.u32 v1, v6;
	v7 =	vor.u32 v7, v9;
	v8 =	vld [tilespmem:s1+$0x10]  }
0x286: {  	v14 =	vadd.s32 v3, v14;
	v5 =	vor.u32 v5, v17;
	v7 =	vor.u32 v1, v7;
	v9 =	vld [tilespmem:s1+$0x0]  }
0x287: {  	v4 =	vor.u32 v4, v14;
	v3 =	vadd.s32 v3, v16;
	v18 =	vld.idx.msk [tilespmem:v12+s22+$0x0], $0xffff;
	v12 =	vor.u32 v1, v5  }
0x288: {  	v2 =	vor.u32 v2, v3;
	v5 =	vmov s30;
	v20 =	vld.idx.msk [tilespmem:v11+s22+$0x0], $0xffff;
	v11 =	vor.u32 v1, v4  }
0x289: {  	v3 =	vshll.u32 v5, $0x7;
	v24 =	vld.idx.msk [tilespmem:v10+s22+$0x0], $0xffff;
	v10 =	vor.u32 v1, v2  }
0x28a: {  	v2 =	vshll.u32 v5, $0xB;
	v1 =	vand.u32 $0x380, v3;
	v25 =	vld.idx.msk [tilespmem:v6+s22+$0x0], $0xffff  }
0x28b: {  	v4 =	vand.u32 $0x7F, v21;
	v3 =	vand.u32 $0x4000, v2;
	v2 =	vand.u32 $0x7F, v13;
	v26 =	vld.idx.msk [tilespmem:v7+s22+$0x0], $0xffff  }
0x28c: {  	v16 =	vshll.u32 v13, $0x3;
	v5 =	vand.u32 $0x7F, v22;
	v6 =	vand.u32 $0x7F, v15;
	v12 =	vld.idx.msk [tilespmem:v12+s22+$0x0], $0xffff  }
.Ltmp7:
0x28d: {  	v17 =	vshll.u32 v21, $0x3;
	v7 =	vand.u32 $0x7F, v23;
	v21 =	vadd.f32 $1.000000000e+00, v18;
	v13 =	vld.idx.msk [tilespmem:v11+s22+$0x0], $0xffff;
	(pc) =	sbr.rel @p0 .LBB2_16-.Ltmp7, $4  }
0x28e: {  	v22 =	vshll.u32 v22, $0x3;
	v18 =	vshll.u32 v15, $0x3;
	v11 =	vand.u32 $0x7F, v19;
	v14 =	vld.idx.msk [tilespmem:v10+s22+$0x0], $0xffff  }
0x28f: {  	v10 =	vand.u32 $0x7F, v8;
	v20 =	vsub.f32 v21, v20;
	v21 =	vadd.f32 $1.000000000e+00, v24  }
0x290: {  	v15 =	vand.u32 $0x7F, v9;
	v19 =	vshll.u32 v19, $0x3;
	v24 =	vshll.u32 v23, $0x3  }
0x291: {  	s30 =	sadd.s32 $0x1, s30;
	v23 =	vmax.f32 v20, $0.0e+00;
	v20 =	vsub.f32 v21, v25;
	v21 =	vadd.f32 $1.000000000e+00, v26  }
0x292: {  	v8 =	vshll.u32 v8, $0x3  }
0x293: {  	v9 =	vshll.u32 v9, $0x3;
	v16 =	vand.u32 $0xFFFFFC00, v16;
	v17 =	vand.u32 $0xFFFFFC00, v17  }
0x294: {  	v22 =	vand.u32 $0xFFFFFC00, v22;
	v18 =	vand.u32 $0xFFFFFC00, v18;
	v9 =	vand.u32 $0xFFFFFC00, v9  }
0x295: {  	v24 =	vand.u32 $0xFFFFFC00, v24;
	v19 =	vand.u32 $0xFFFFFC00, v19;
	v9 =	vadd.s32 v3, v9  }
0x296: {  	v19 =	vadd.s32 v3, v19;
	v8 =	vand.u32 $0xFFFFFC00, v8;
	v9 =	vor.u32 v15, v9  }
0x297: {  	v11 =	vor.u32 v11, v19;
	v8 =	vadd.s32 v3, v8;
	v9 =	vor.u32 v1, v9  }
0x298: {  	v46 =	vadd.s32 v3, v18;
	v11 =	vor.u32 v1, v11;
	v8 =	vor.u32 v10, v8  }
0x299: {  	v47 =	vadd.s32 v3, v24;
	v6 =	vor.u32 v6, v46;
	v8 =	vor.u32 v1, v8  }
0x29a: {  	v48 =	vadd.s32 v3, v22;
	v7 =	vor.u32 v7, v47;
	v6 =	vor.u32 v1, v6  }
0x29b: {  	v49 =	vadd.s32 v3, v17;
	v5 =	vor.u32 v5, v48;
	v7 =	vor.u32 v1, v7  }
0x29c: {  	v50 =	vadd.s32 v3, v16;
	v4 =	vor.u32 v4, v49;
	v5 =	vor.u32 v1, v5;
	v9 =	vld.idx.msk [tilespmem:v9+s22+$0x0], $0xffff  }
0x29d: {  	v2 =	vor.u32 v2, v50;
	v4 =	vor.u32 v1, v4;
	v51 =	vld.idx.msk [tilespmem:v11+s22+$0x0], $0xffff  }
0x29e: {  	v0 =	vadd.f32 v23, v0;
	v52 =	vadd.f32 $1.000000000e+00, v12;
	v53 =	vor.u32 v1, v2;
	v8 =	vld.idx.msk [tilespmem:v8+s22+$0x0], $0xffff  }
0x29f: {  	v54 =	vmax.f32 v20, $0.0e+00;
	v55 =	vsub.f32 v21, v13;
	v6 =	vld.idx.msk [tilespmem:v6+s22+$0x0], $0xffff  }
0x2a0: {  	v0 =	vadd.f32 v54, v0;
	v56 =	vsub.f32 v52, v14;
	v57 =	vld.idx.msk [tilespmem:v7+s22+$0x0], $0xffff  }
0x2a1: {  	v58 =	vmax.f32 v55, $0.0e+00;
	v5 =	vld.idx.msk [tilespmem:v5+s22+$0x0], $0xffff;
	v9 =	vadd.f32 $1.000000000e+00, v9  }
0x2a2: {  	v0 =	vadd.f32 v58, v0;
	v2 =	vmax.f32 v56, $0.0e+00;
	v4 =	vld.idx.msk [tilespmem:v4+s22+$0x0], $0xffff  }
0x2a3: {  	v2 =	vsel vm0, $0x0, v2;
	v1 =	vld.idx.msk [tilespmem:v53+s22+$0x0], $0xffff;
	v8 =	vadd.f32 $1.000000000e+00, v8;
	v59 =	vsub.f32 v9, v51  }
0x2a4: {  	v0 =	vadd.f32 v2, v0  }
0x2a5: {  	v3 =	vadd.f32 $1.000000000e+00, v57;
	v6 =	vsub.f32 v8, v6;
	v60 =	vmax.f32 v59, $0.0e+00  }
0x2a6: {  	v61 =	vadd.f32 $1.000000000e+00, v5;
	v0 =	vadd.f32 v60, v0  }
0x2a7: {  	v3 =	vsub.f32 v3, v4;
	v62 =	vmax.f32 v6, $0.0e+00  }
0x2a8: {  	v1 =	vsub.f32 v61, v1;
	v0 =	vadd.f32 v62, v0  }
0x2a9: {  	v63 =	vmax.f32 v3, $0.0e+00  }
0x2aa: {  	v1 =	vmax.f32 v1, $0.0e+00;
	v0 =	vadd.f32 v63, v0  }
0x2ab: {  	v1 =	vsel vm0, $0x0, v1  }
0x2ac: {  	v0 =	vadd.f32 v1, v0;
	_ =	sdelay $0x1  }
0x2ad: {  	s0 =	sadd.s32 $0x1, s0;
	v0 =	vmul.f32 $4.882812390e-06, v0  }
0x2ae: {  	p0 =	sne.s32 s0, s20  }
.Ltmp8:
0x2af: {  	s1 =	simm.s32 $0x19800;
	[tilespmem:$0x19800] =	vst v0;
	(pc) =	sbr.rel @p0 .LBB2_1-.Ltmp8, $4  }
0x2b0: {  	[hbm4b:s19+s2] =	stream.linear.scatter [tilespmem:s1], [sflag:$0x4], $0x80, $0x38;
	[tilespmem:$0x19880] =	vst v63  }
0x2b1: {  	_ =	swait.ge [sflag:s31], $0x80  }
0x2b2: {  	[sflag:s31] =	ssyncset.done $0x0  }
0x2b3: {  	[sflag:s31] =	ssyncadd.s32 $0xFFFFFF80  }
0x2b4: {  	_ =	sfence.sel $0x180000  }
0x2b5: {  	[bflag:$0x0] =	sbarrier.arrive $0xFFFF  }
0x2b6: {  	_ =	strace $0x90000047  }
0x2b7: {  	s0 =	stileid.u32;
	[bflag:$0x2] =	sbarrier.arrive $0xFFFF  }
0x2b8: {  	p0 =	sne.s32 s0, $0x0;
	s0 =	rddreg [dreg:$0x2]  }
0x2b9: {  	s0 =	sadd.s32 @!p0 $0x100000, s0  }
0x2ba: {  	[sflag:s0] =	ssyncadd.tile.s32 @!p0 $0x1;
	_ =	shalt  }
.Lfunc_end2:
_tile_overlayer_lowered:
.L_overlay_start_2:
0x2bb: {  	(tag) =	ssettag $0x2  }
0x2bc: {  	s0 =	rddreg [dreg:$0x0];
	s2 =	stileid.u32  }
0x2bd: {  	s1 =	rddreg [dreg:$0x1];
	p0 =	sne.s32 s2, $0x0  }
0x2be: {  	s3 =	rddreg [dreg:$0x2];
	[bflag:$0x3] =	sbarrier.arrive $0xFFFF;
	s2 =	simm.s32 @!p0 $0x1C04  }
0x2bf: {  	[timem:s3], [sflag:s2] =	dma.local @!p0 [hbm:s0], s1  }
0x2c0: {  	s0 =	simm.s32 @!p0 $0x4  }
0x2c1: {  	_ =	swait.ge @!p0 [sflag:s0], s1  }
0x2c2: {  	s1 =	ssub.s32 @!p0 $0x0, s1;
	[sflag:s0] =	ssyncset.done @!p0 $0x0  }
0x2c3: {  	[sflag:s0] =	ssyncadd.s32 @!p0 s1  }
0x2c4: {  	[bflag:$0x3] =	sbarrier.arrive $0xFFFF  }
0x2c5: {  	_ =	shalt  }

</sc_bundles>
